<compile_context>
chip_gen: v7x
topology: tpu7x:2x2x1
jax: 0.10.2.dev20260603
libtpu: 0.0.44.dev20260713+nightly
codegen_flags: <defaults>
</compile_context>

<pallas_src>
import jax
import jax.numpy as jnp
from jax import lax
from jax.experimental import pallas as pl
from jax.experimental.pallas import tpu as pltpu
from jax.experimental.pallas import tpu_sc as plsc

_HIDDEN = 64
_BATCH = 16384
_RMIN, _RMAX = 1.0, 5.0

_NC = 2
_NS = 16
_L = 16
_NW = _NC * _NS
_BPW = _BATCH // _NW
_CH = 128
_NCHUNK = _BPW // _CH
_GPC = _CH // _L


def _mf_body(user_hbm, item_hbm, rating_hbm, cat_hbm,
             tr_hbm, part_hbm,
             uidx_v, iidx_v, ue_v, ie_v, rate_v, tr_v, part_v,
             sem0, sem1):
    wid = lax.axis_index("s") * _NC + lax.axis_index("c")
    base = wid * _BPW
    sems = (sem0, sem1)

    for c in range(_NCHUNK):
        pltpu.sync_copy(user_hbm.at[pl.ds(base + c * _CH, _CH)],
                        uidx_v.at[c])
        pltpu.sync_copy(item_hbm.at[pl.ds(base + c * _CH, _CH)],
                        iidx_v.at[c])
    pltpu.sync_copy(rating_hbm.at[pl.ds(base, _BPW)], rate_v)

    def issue(c, buf):
        sem = sems[c & 1]
        pltpu.async_copy(cat_hbm.at[uidx_v.at[c]],
                         ue_v.at[pl.ds(buf * _CH, _CH)], sem)
        pltpu.async_copy(cat_hbm.at[iidx_v.at[c]],
                         ie_v.at[pl.ds(buf * _CH, _CH)], sem)

    def drain(c, buf):
        sem = sems[c & 1]
        pltpu.make_async_copy(cat_hbm.at[pl.ds(0, _CH)],
                              ue_v.at[pl.ds(buf * _CH, _CH)], sem).wait()
        pltpu.make_async_copy(cat_hbm.at[pl.ds(0, _CH)],
                              ie_v.at[pl.ds(buf * _CH, _CH)], sem).wait()

    lanes = lax.iota(jnp.int32, _L)
    inv_h = jnp.float32(1.0 / _HIDDEN)
    inv_span = jnp.float32(1.0 / (_RMAX - _RMIN))

    def compute(c, buf, acc):

        def group_body(g, acc):
            rows = buf * _CH + g * _L + lanes

            def j_body(j, carry):
                su, sv, suu, svv, suv = carry
                for jj in range(8):
                    cols = (lanes + (j * 8 + jj)) & (_HIDDEN - 1)
                    u = plsc.load_gather(ue_v, [rows, cols])
                    v = plsc.load_gather(ie_v, [rows, cols + _HIDDEN])
                    su = su + u
                    sv = sv + v
                    suu = suu + u * u
                    svv = svv + v * v
                    suv = suv + u * v
                return (su, sv, suu, svv, suv)

            z = jnp.zeros((_L,), jnp.float32)
            su, sv, suu, svv, suv = lax.fori_loop(
                0, _HIDDEN // 8, j_body, (z, z, z, z, z))

            dotc = suv - su * sv * inv_h
            nu = jnp.maximum(suu - su * su * inv_h, jnp.float32(1e-24))
            nv = jnp.maximum(svv - sv * sv * inv_h, jnp.float32(1e-24))
            d = jnp.maximum(nu * nv, jnp.float32(1e-30))
            yi = jnp.int32(0x5F3759DF) - (plsc.bitcast(d, jnp.int32) >> 1)
            y = plsc.bitcast(yi, jnp.float32)
            for _ in range(3):
                y = y * (jnp.float32(1.5) - jnp.float32(0.5) * d * y * y)
            mf = dotc * y

            off = c * _CH + g * _L
            tr_v[pl.ds(off, _L)] = mf * jnp.float32(_RMAX - _RMIN) \
                + jnp.float32(_RMIN)
            r = (rate_v[pl.ds(off, _L)] - jnp.float32(_RMIN)) * inv_span
            e = mf - r
            return acc + e * e

        return lax.fori_loop(0, _GPC, group_body, acc)

    issue(0, 0)
    acc = jnp.zeros((_L,), jnp.float32)
    for c in range(_NCHUNK):
        buf = c & 1
        if c + 1 < _NCHUNK:
            issue(c + 1, 1 - buf)
        drain(c, buf)
        acc = compute(c, buf, acc)

    part_v[...] = acc
    pltpu.sync_copy(tr_v, tr_hbm.at[pl.ds(base, _BPW)])
    pltpu.sync_copy(part_v, part_hbm.at[pl.ds(wid * _L, _L)])


_BK = 8192
_NV = 100000
_NBLK = (_NV + _BK - 1) // _BK
_NPAD = _NBLK * _BK


def _transpose_cat_body(ut_ref, it_ref, out_ref):
    out_ref[...] = jnp.concatenate(
        [ut_ref[...].T, it_ref[...].T], axis=1)


@jax.jit
def kernel(user, item, rating, user_weight, item_weight):
    cat = pl.pallas_call(
        _transpose_cat_body,
        grid=(_NBLK,),
        in_specs=[
            pl.BlockSpec((_HIDDEN, _BK), lambda k: (0, k)),
            pl.BlockSpec((_HIDDEN, _BK), lambda k: (0, k)),
        ],
        out_specs=pl.BlockSpec((_BK, 128), lambda k: (k, 0)),
        out_shape=jax.ShapeDtypeStruct((_NPAD, 128), jnp.float32),
    )(user_weight.T, item_weight.T)
    mesh = plsc.VectorSubcoreMesh(core_axis_name="c", subcore_axis_name="s")
    tr, part = pl.kernel(
        _mf_body,
        out_type=[
            jax.ShapeDtypeStruct((_BATCH,), jnp.float32),
            jax.ShapeDtypeStruct((_NW * _L,), jnp.float32),
        ],
        mesh=mesh,
        compiler_params=pltpu.CompilerParams(needs_layout_passes=False),
        scratch_types=[
            pltpu.VMEM((_NCHUNK, _CH), jnp.int32),
            pltpu.VMEM((_NCHUNK, _CH), jnp.int32),
            pltpu.VMEM((2 * _CH, 128), jnp.float32),
            pltpu.VMEM((2 * _CH, 128), jnp.float32),
            pltpu.VMEM((_BPW,), jnp.float32),
            pltpu.VMEM((_BPW,), jnp.float32),
            pltpu.VMEM((_L,), jnp.float32),
            pltpu.SemaphoreType.DMA,
            pltpu.SemaphoreType.DMA,
        ],
    )(user, item, rating, cat)
    loss = jnp.sum(part) * jnp.float32(1.0 / _BATCH)
    return (loss, tr)

# --- scband reference (transcript-rebuilt; emitter-appended) ---
"""Pipeline reference for scband-mf-37177236914710 (READ-ONLY COPY).

The authoritative reference and input builder live on the scoring server;
editing this copy changes nothing except your own understanding.
"""

import jax, jax.numpy as jnp
import numpy as np

NUM_USERS = 100000
NUM_ITEMS = 100000
HIDDEN = 64
BATCH = 16384
RMIN, RMAX = 1.0, 5.0


def _center_normalize(e):
    e = e - e.mean(axis=-1, keepdims=True)
    norm = jnp.linalg.norm(e, axis=-1, keepdims=True)
    return e / jnp.maximum(norm, 1e-12)


def setup_inputs(seed: int = 0):
    key = jax.random.key(seed)
    k1, k2, k3, k4, k5 = jax.random.split(key, 5)
    user = jax.random.randint(k1, (BATCH,), 0, NUM_USERS, dtype=jnp.int64 if jax.config.jax_enable_x64 else jnp.int32)
    item = jax.random.randint(k2, (BATCH,), 0, NUM_ITEMS, dtype=jnp.int64 if jax.config.jax_enable_x64 else jnp.int32)
    rating = jax.random.uniform(k3, (BATCH,), dtype=jnp.float32) * (RMAX - RMIN) + RMIN
    user_weight = jax.random.normal(k4, (NUM_USERS, HIDDEN), dtype=jnp.float32) * 1e-4
    item_weight = jax.random.normal(k5, (NUM_ITEMS, HIDDEN), dtype=jnp.float32) * 1e-4
    return {"user": user, "item": item, "rating": rating,
            "user_weight": user_weight, "item_weight": item_weight}


def reference(user, item, rating, user_weight, item_weight):
    # normalize(rating, min, max)
    r = (rating - RMIN) / (RMAX - RMIN)
    # embedding lookups (SparseCore gather)
    ue = jnp.take(user_weight, user, axis=0)
    ie = jnp.take(item_weight, item, axis=0)
    # center + L2-normalize (F.normalize)
    ue = _center_normalize(ue)
    ie = _center_normalize(ie)
    # bmm of [B,1,H] x [B,H,1] -> per-example dot product
    mf = jnp.sum(ue * ie, axis=-1)
    # MSE loss against detached normalized rating
    loss = jnp.mean((mf - r) ** 2)
    # denormalize predictions
    target_rating = mf * (RMAX - RMIN) + RMIN
    return (loss, target_rating)

if __name__ == "__main__":
    import jax
    _d = setup_inputs()
    print(jax.jit(kernel)(*tuple(_d.values())))

</pallas_src>

<mosaic_0001>
#map = affine_map<(d0, d1) -> (0)>
#map1 = affine_map<(d0, d1) -> (0, 0)>
module attributes {stable_mosaic.version = 14 : i64} {
  func.func @_mf_body(%arg0: i32, %arg1: i32, %arg2: memref<16384xi32, #tpu.memory_space<hbm>>, %arg3: memref<16384xi32, #tpu.memory_space<hbm>>, %arg4: memref<16384xf32, #tpu.memory_space<hbm>>, %arg5: memref<106496x128xf32, #tpu.memory_space<hbm>>, %arg6: memref<16384xf32, #tpu.memory_space<hbm>>, %arg7: memref<512xf32, #tpu.memory_space<hbm>>, %arg8: memref<4x128xi32, #tpu.memory_space<vmem>>, %arg9: memref<4x128xi32, #tpu.memory_space<vmem>>, %arg10: memref<256x128xf32, #tpu.memory_space<vmem>>, %arg11: memref<256x128xf32, #tpu.memory_space<vmem>>, %arg12: memref<512xf32, #tpu.memory_space<vmem>>, %arg13: memref<512xf32, #tpu.memory_space<vmem>>, %arg14: memref<16xf32, #tpu.memory_space<vmem>>, %arg15: memref<!tpu.dma_semaphore, #tpu.memory_space<semaphore_mem>>, %arg16: memref<!tpu.dma_semaphore, #tpu.memory_space<semaphore_mem>>) attributes {dimension_semantics = [#tpu.dimension_semantics<core_parallel>, #tpu.dimension_semantics<subcore_parallel>], iteration_bounds = array<i64: 2, 16>, scalar_prefetch = 0 : i64, scratch_operands = 9 : i64, tpu.core_type = #tpu.core_type<sc_vector_subcore>, window_params = [{transform_indices = #map}, {transform_indices = #map}, {transform_indices = #map}, {transform_indices = #map1}, {transform_indices = #map}, {transform_indices = #map}]} {
    %mul3A = arith.constant 2 : i32
    %mul3A_0 = arith.muli %arg1, %mul3A : i32
    %add3A = arith.addi %mul3A_0, %arg0 : i32
    %mul3A_1 = arith.constant 512 : i32
    %mul3A_2 = arith.muli %add3A, %mul3A_1 : i32
    %add3A_3 = arith.constant 0 : i32
    %add3A_4 = arith.addi %mul3A_2, %add3A_3 : i32
    %run_scoped3A = arith.constant 0 : i32
    "tpu.region"() ({
      %run_scoped3A_235 = tpu.sem_alloc : memref<!tpu.dma_semaphore, #tpu.memory_space<semaphore_mem>>
      %dma_start3A_236 = arith.constant 0 : i32
      %dma_start3A_237 = tpu.memref_slice %arg8[%run_scoped3A, %dma_start3A_236] : memref<4x128xi32, #tpu.memory_space<vmem>> -> memref<1x128xi32, #tpu.memory_space<vmem>>
      %dma_start3A_238 = tpu.memref_squeeze %dma_start3A_237 : memref<1x128xi32, #tpu.memory_space<vmem>> -> memref<128xi32, #tpu.memory_space<vmem>>
      %dma_start3A_239 = tpu.memref_slice %arg2[%add3A_4] : memref<16384xi32, #tpu.memory_space<hbm>> -> memref<128xi32, #tpu.memory_space<hbm>>
      %dma_start3A_240 = arith.constant 0 : i32
      %dma_start3A_241 = tpu.memref_slice %arg8[%run_scoped3A, %dma_start3A_240] : memref<4x128xi32, #tpu.memory_space<vmem>> -> memref<1x128xi32, #tpu.memory_space<vmem>>
      %dma_start3A_242 = tpu.memref_squeeze %dma_start3A_241 : memref<1x128xi32, #tpu.memory_space<vmem>> -> memref<128xi32, #tpu.memory_space<vmem>>
      %dma_start3A_243 = tpu.memref_slice %arg2[%add3A_4] : memref<16384xi32, #tpu.memory_space<hbm>> -> memref<128xi32, #tpu.memory_space<hbm>>
      tpu.enqueue_dma source(%dma_start3A_243 : memref<128xi32, #tpu.memory_space<hbm>>) target(%dma_start3A_242 : memref<128xi32, #tpu.memory_space<vmem>>) target_semaphore(%run_scoped3A_235 : memref<!tpu.dma_semaphore, #tpu.memory_space<semaphore_mem>>)
      %dma_wait3A_244 = arith.constant 0 : i32
      %dma_wait3A_245 = tpu.memref_slice %arg8[%run_scoped3A, %dma_wait3A_244] : memref<4x128xi32, #tpu.memory_space<vmem>> -> memref<1x128xi32, #tpu.memory_space<vmem>>
      %dma_wait3A_246 = tpu.memref_squeeze %dma_wait3A_245 : memref<1x128xi32, #tpu.memory_space<vmem>> -> memref<128xi32, #tpu.memory_space<vmem>>
      %dma_wait3A_247 = tpu.memref_slice %arg2[%add3A_4] : memref<16384xi32, #tpu.memory_space<hbm>> -> memref<128xi32, #tpu.memory_space<hbm>>
      %dma_wait3A_248 = arith.constant 0 : i32
      %dma_wait3A_249 = tpu.memref_slice %arg8[%run_scoped3A, %dma_wait3A_248] : memref<4x128xi32, #tpu.memory_space<vmem>> -> memref<1x128xi32, #tpu.memory_space<vmem>>
      %dma_wait3A_250 = tpu.memref_squeeze %dma_wait3A_249 : memref<1x128xi32, #tpu.memory_space<vmem>> -> memref<128xi32, #tpu.memory_space<vmem>>
      %dma_wait3A_251 = tpu.memref_slice %arg2[%add3A_4] : memref<16384xi32, #tpu.memory_space<hbm>> -> memref<128xi32, #tpu.memory_space<hbm>>
      tpu.wait_dma2 semaphore(%run_scoped3A_235 : memref<!tpu.dma_semaphore, #tpu.memory_space<semaphore_mem>>) src(%dma_wait3A_251 : memref<128xi32, #tpu.memory_space<hbm>>) dst(%dma_wait3A_250 : memref<128xi32, #tpu.memory_space<vmem>>)
      tpu.yield
    }) : () -> ()
    %add3A_5 = arith.constant 0 : i32
    %add3A_6 = arith.addi %mul3A_2, %add3A_5 : i32
    %run_scoped3A_7 = arith.constant 0 : i32
    "tpu.region"() ({
      %run_scoped3A_235 = tpu.sem_alloc : memref<!tpu.dma_semaphore, #tpu.memory_space<semaphore_mem>>
      %dma_start3A_236 = arith.constant 0 : i32
      %dma_start3A_237 = tpu.memref_slice %arg9[%run_scoped3A_7, %dma_start3A_236] : memref<4x128xi32, #tpu.memory_space<vmem>> -> memref<1x128xi32, #tpu.memory_space<vmem>>
      %dma_start3A_238 = tpu.memref_squeeze %dma_start3A_237 : memref<1x128xi32, #tpu.memory_space<vmem>> -> memref<128xi32, #tpu.memory_space<vmem>>
      %dma_start3A_239 = tpu.memref_slice %arg3[%add3A_6] : memref<16384xi32, #tpu.memory_space<hbm>> -> memref<128xi32, #tpu.memory_space<hbm>>
      %dma_start3A_240 = arith.constant 0 : i32
      %dma_start3A_241 = tpu.memref_slice %arg9[%run_scoped3A_7, %dma_start3A_240] : memref<4x128xi32, #tpu.memory_space<vmem>> -> memref<1x128xi32, #tpu.memory_space<vmem>>
      %dma_start3A_242 = tpu.memref_squeeze %dma_start3A_241 : memref<1x128xi32, #tpu.memory_space<vmem>> -> memref<128xi32, #tpu.memory_space<vmem>>
      %dma_start3A_243 = tpu.memref_slice %arg3[%add3A_6] : memref<16384xi32, #tpu.memory_space<hbm>> -> memref<128xi32, #tpu.memory_space<hbm>>
      tpu.enqueue_dma source(%dma_start3A_243 : memref<128xi32, #tpu.memory_space<hbm>>) target(%dma_start3A_242 : memref<128xi32, #tpu.memory_space<vmem>>) target_semaphore(%run_scoped3A_235 : memref<!tpu.dma_semaphore, #tpu.memory_space<semaphore_mem>>)
      %dma_wait3A_244 = arith.constant 0 : i32
      %dma_wait3A_245 = tpu.memref_slice %arg9[%run_scoped3A_7, %dma_wait3A_244] : memref<4x128xi32, #tpu.memory_space<vmem>> -> memref<1x128xi32, #tpu.memory_space<vmem>>
      %dma_wait3A_246 = tpu.memref_squeeze %dma_wait3A_245 : memref<1x128xi32, #tpu.memory_space<vmem>> -> memref<128xi32, #tpu.memory_space<vmem>>
      %dma_wait3A_247 = tpu.memref_slice %arg3[%add3A_6] : memref<16384xi32, #tpu.memory_space<hbm>> -> memref<128xi32, #tpu.memory_space<hbm>>
      %dma_wait3A_248 = arith.constant 0 : i32
      %dma_wait3A_249 = tpu.memref_slice %arg9[%run_scoped3A_7, %dma_wait3A_248] : memref<4x128xi32, #tpu.memory_space<vmem>> -> memref<1x128xi32, #tpu.memory_space<vmem>>
      %dma_wait3A_250 = tpu.memref_squeeze %dma_wait3A_249 : memref<1x128xi32, #tpu.memory_space<vmem>> -> memref<128xi32, #tpu.memory_space<vmem>>
      %dma_wait3A_251 = tpu.memref_slice %arg3[%add3A_6] : memref<16384xi32, #tpu.memory_space<hbm>> -> memref<128xi32, #tpu.memory_space<hbm>>
      tpu.wait_dma2 semaphore(%run_scoped3A_235 : memref<!tpu.dma_semaphore, #tpu.memory_space<semaphore_mem>>) src(%dma_wait3A_251 : memref<128xi32, #tpu.memory_space<hbm>>) dst(%dma_wait3A_250 : memref<128xi32, #tpu.memory_space<vmem>>)
      tpu.yield
    }) : () -> ()
    %add3A_8 = arith.constant 128 : i32
    %add3A_9 = arith.addi %mul3A_2, %add3A_8 : i32
    %run_scoped3A_10 = arith.constant 1 : i32
    "tpu.region"() ({
      %run_scoped3A_235 = tpu.sem_alloc : memref<!tpu.dma_semaphore, #tpu.memory_space<semaphore_mem>>
      %dma_start3A_236 = arith.constant 0 : i32
      %dma_start3A_237 = tpu.memref_slice %arg8[%run_scoped3A_10, %dma_start3A_236] : memref<4x128xi32, #tpu.memory_space<vmem>> -> memref<1x128xi32, #tpu.memory_space<vmem>>
      %dma_start3A_238 = tpu.memref_squeeze %dma_start3A_237 : memref<1x128xi32, #tpu.memory_space<vmem>> -> memref<128xi32, #tpu.memory_space<vmem>>
      %dma_start3A_239 = tpu.memref_slice %arg2[%add3A_9] : memref<16384xi32, #tpu.memory_space<hbm>> -> memref<128xi32, #tpu.memory_space<hbm>>
      %dma_start3A_240 = arith.constant 0 : i32
      %dma_start3A_241 = tpu.memref_slice %arg8[%run_scoped3A_10, %dma_start3A_240] : memref<4x128xi32, #tpu.memory_space<vmem>> -> memref<1x128xi32, #tpu.memory_space<vmem>>
      %dma_start3A_242 = tpu.memref_squeeze %dma_start3A_241 : memref<1x128xi32, #tpu.memory_space<vmem>> -> memref<128xi32, #tpu.memory_space<vmem>>
      %dma_start3A_243 = tpu.memref_slice %arg2[%add3A_9] : memref<16384xi32, #tpu.memory_space<hbm>> -> memref<128xi32, #tpu.memory_space<hbm>>
      tpu.enqueue_dma source(%dma_start3A_243 : memref<128xi32, #tpu.memory_space<hbm>>) target(%dma_start3A_242 : memref<128xi32, #tpu.memory_space<vmem>>) target_semaphore(%run_scoped3A_235 : memref<!tpu.dma_semaphore, #tpu.memory_space<semaphore_mem>>)
      %dma_wait3A_244 = arith.constant 0 : i32
      %dma_wait3A_245 = tpu.memref_slice %arg8[%run_scoped3A_10, %dma_wait3A_244] : memref<4x128xi32, #tpu.memory_space<vmem>> -> memref<1x128xi32, #tpu.memory_space<vmem>>
      %dma_wait3A_246 = tpu.memref_squeeze %dma_wait3A_245 : memref<1x128xi32, #tpu.memory_space<vmem>> -> memref<128xi32, #tpu.memory_space<vmem>>
      %dma_wait3A_247 = tpu.memref_slice %arg2[%add3A_9] : memref<16384xi32, #tpu.memory_space<hbm>> -> memref<128xi32, #tpu.memory_space<hbm>>
      %dma_wait3A_248 = arith.constant 0 : i32
      %dma_wait3A_249 = tpu.memref_slice %arg8[%run_scoped3A_10, %dma_wait3A_248] : memref<4x128xi32, #tpu.memory_space<vmem>> -> memref<1x128xi32, #tpu.memory_space<vmem>>
      %dma_wait3A_250 = tpu.memref_squeeze %dma_wait3A_249 : memref<1x128xi32, #tpu.memory_space<vmem>> -> memref<128xi32, #tpu.memory_space<vmem>>
      %dma_wait3A_251 = tpu.memref_slice %arg2[%add3A_9] : memref<16384xi32, #tpu.memory_space<hbm>> -> memref<128xi32, #tpu.memory_space<hbm>>
      tpu.wait_dma2 semaphore(%run_scoped3A_235 : memref<!tpu.dma_semaphore, #tpu.memory_space<semaphore_mem>>) src(%dma_wait3A_251 : memref<128xi32, #tpu.memory_space<hbm>>) dst(%dma_wait3A_250 : memref<128xi32, #tpu.memory_space<vmem>>)
      tpu.yield
    }) : () -> ()
    %add3A_11 = arith.constant 128 : i32
    %add3A_12 = arith.addi %mul3A_2, %add3A_11 : i32
    %run_scoped3A_13 = arith.constant 1 : i32
    "tpu.region"() ({
      %run_scoped3A_235 = tpu.sem_alloc : memref<!tpu.dma_semaphore, #tpu.memory_space<semaphore_mem>>
      %dma_start3A_236 = arith.constant 0 : i32
      %dma_start3A_237 = tpu.memref_slice %arg9[%run_scoped3A_13, %dma_start3A_236] : memref<4x128xi32, #tpu.memory_space<vmem>> -> memref<1x128xi32, #tpu.memory_space<vmem>>
      %dma_start3A_238 = tpu.memref_squeeze %dma_start3A_237 : memref<1x128xi32, #tpu.memory_space<vmem>> -> memref<128xi32, #tpu.memory_space<vmem>>
      %dma_start3A_239 = tpu.memref_slice %arg3[%add3A_12] : memref<16384xi32, #tpu.memory_space<hbm>> -> memref<128xi32, #tpu.memory_space<hbm>>
      %dma_start3A_240 = arith.constant 0 : i32
      %dma_start3A_241 = tpu.memref_slice %arg9[%run_scoped3A_13, %dma_start3A_240] : memref<4x128xi32, #tpu.memory_space<vmem>> -> memref<1x128xi32, #tpu.memory_space<vmem>>
      %dma_start3A_242 = tpu.memref_squeeze %dma_start3A_241 : memref<1x128xi32, #tpu.memory_space<vmem>> -> memref<128xi32, #tpu.memory_space<vmem>>
      %dma_start3A_243 = tpu.memref_slice %arg3[%add3A_12] : memref<16384xi32, #tpu.memory_space<hbm>> -> memref<128xi32, #tpu.memory_space<hbm>>
      tpu.enqueue_dma source(%dma_start3A_243 : memref<128xi32, #tpu.memory_space<hbm>>) target(%dma_start3A_242 : memref<128xi32, #tpu.memory_space<vmem>>) target_semaphore(%run_scoped3A_235 : memref<!tpu.dma_semaphore, #tpu.memory_space<semaphore_mem>>)
      %dma_wait3A_244 = arith.constant 0 : i32
      %dma_wait3A_245 = tpu.memref_slice %arg9[%run_scoped3A_13, %dma_wait3A_244] : memref<4x128xi32, #tpu.memory_space<vmem>> -> memref<1x128xi32, #tpu.memory_space<vmem>>
      %dma_wait3A_246 = tpu.memref_squeeze %dma_wait3A_245 : memref<1x128xi32, #tpu.memory_space<vmem>> -> memref<128xi32, #tpu.memory_space<vmem>>
      %dma_wait3A_247 = tpu.memref_slice %arg3[%add3A_12] : memref<16384xi32, #tpu.memory_space<hbm>> -> memref<128xi32, #tpu.memory_space<hbm>>
      %dma_wait3A_248 = arith.constant 0 : i32
      %dma_wait3A_249 = tpu.memref_slice %arg9[%run_scoped3A_13, %dma_wait3A_248] : memref<4x128xi32, #tpu.memory_space<vmem>> -> memref<1x128xi32, #tpu.memory_space<vmem>>
      %dma_wait3A_250 = tpu.memref_squeeze %dma_wait3A_249 : memref<1x128xi32, #tpu.memory_space<vmem>> -> memref<128xi32, #tpu.memory_space<vmem>>
      %dma_wait3A_251 = tpu.memref_slice %arg3[%add3A_12] : memref<16384xi32, #tpu.memory_space<hbm>> -> memref<128xi32, #tpu.memory_space<hbm>>
      tpu.wait_dma2 semaphore(%run_scoped3A_235 : memref<!tpu.dma_semaphore, #tpu.memory_space<semaphore_mem>>) src(%dma_wait3A_251 : memref<128xi32, #tpu.memory_space<hbm>>) dst(%dma_wait3A_250 : memref<128xi32, #tpu.memory_space<vmem>>)
      tpu.yield
    }) : () -> ()
    %add3A_14 = arith.constant 256 : i32
    %add3A_15 = arith.addi %mul3A_2, %add3A_14 : i32
    %run_scoped3A_16 = arith.constant 2 : i32
    "tpu.region"() ({
      %run_scoped3A_235 = tpu.sem_alloc : memref<!tpu.dma_semaphore, #tpu.memory_space<semaphore_mem>>
      %dma_start3A_236 = arith.constant 0 : i32
      %dma_start3A_237 = tpu.memref_slice %arg8[%run_scoped3A_16, %dma_start3A_236] : memref<4x128xi32, #tpu.memory_space<vmem>> -> memref<1x128xi32, #tpu.memory_space<vmem>>
      %dma_start3A_238 = tpu.memref_squeeze %dma_start3A_237 : memref<1x128xi32, #tpu.memory_space<vmem>> -> memref<128xi32, #tpu.memory_space<vmem>>
      %dma_start3A_239 = tpu.memref_slice %arg2[%add3A_15] : memref<16384xi32, #tpu.memory_space<hbm>> -> memref<128xi32, #tpu.memory_space<hbm>>
      %dma_start3A_240 = arith.constant 0 : i32
      %dma_start3A_241 = tpu.memref_slice %arg8[%run_scoped3A_16, %dma_start3A_240] : memref<4x128xi32, #tpu.memory_space<vmem>> -> memref<1x128xi32, #tpu.memory_space<vmem>>
      %dma_start3A_242 = tpu.memref_squeeze %dma_start3A_241 : memref<1x128xi32, #tpu.memory_space<vmem>> -> memref<128xi32, #tpu.memory_space<vmem>>
      %dma_start3A_243 = tpu.memref_slice %arg2[%add3A_15] : memref<16384xi32, #tpu.memory_space<hbm>> -> memref<128xi32, #tpu.memory_space<hbm>>
      tpu.enqueue_dma source(%dma_start3A_243 : memref<128xi32, #tpu.memory_space<hbm>>) target(%dma_start3A_242 : memref<128xi32, #tpu.memory_space<vmem>>) target_semaphore(%run_scoped3A_235 : memref<!tpu.dma_semaphore, #tpu.memory_space<semaphore_mem>>)
      %dma_wait3A_244 = arith.constant 0 : i32
      %dma_wait3A_245 = tpu.memref_slice %arg8[%run_scoped3A_16, %dma_wait3A_244] : memref<4x128xi32, #tpu.memory_space<vmem>> -> memref<1x128xi32, #tpu.memory_space<vmem>>
      %dma_wait3A_246 = tpu.memref_squeeze %dma_wait3A_245 : memref<1x128xi32, #tpu.memory_space<vmem>> -> memref<128xi32, #tpu.memory_space<vmem>>
      %dma_wait3A_247 = tpu.memref_slice %arg2[%add3A_15] : memref<16384xi32, #tpu.memory_space<hbm>> -> memref<128xi32, #tpu.memory_space<hbm>>
      %dma_wait3A_248 = arith.constant 0 : i32
      %dma_wait3A_249 = tpu.memref_slice %arg8[%run_scoped3A_16, %dma_wait3A_248] : memref<4x128xi32, #tpu.memory_space<vmem>> -> memref<1x128xi32, #tpu.memory_space<vmem>>
      %dma_wait3A_250 = tpu.memref_squeeze %dma_wait3A_249 : memref<1x128xi32, #tpu.memory_space<vmem>> -> memref<128xi32, #tpu.memory_space<vmem>>
      %dma_wait3A_251 = tpu.memref_slice %arg2[%add3A_15] : memref<16384xi32, #tpu.memory_space<hbm>> -> memref<128xi32, #tpu.memory_space<hbm>>
      tpu.wait_dma2 semaphore(%run_scoped3A_235 : memref<!tpu.dma_semaphore, #tpu.memory_space<semaphore_mem>>) src(%dma_wait3A_251 : memref<128xi32, #tpu.memory_space<hbm>>) dst(%dma_wait3A_250 : memref<128xi32, #tpu.memory_space<vmem>>)
      tpu.yield
    }) : () -> ()
    %add3A_17 = arith.constant 256 : i32
    %add3A_18 = arith.addi %mul3A_2, %add3A_17 : i32
    %run_scoped3A_19 = arith.constant 2 : i32
    "tpu.region"() ({
      %run_scoped3A_235 = tpu.sem_alloc : memref<!tpu.dma_semaphore, #tpu.memory_space<semaphore_mem>>
      %dma_start3A_236 = arith.constant 0 : i32
      %dma_start3A_237 = tpu.memref_slice %arg9[%run_scoped3A_19, %dma_start3A_236] : memref<4x128xi32, #tpu.memory_space<vmem>> -> memref<1x128xi32, #tpu.memory_space<vmem>>
      %dma_start3A_238 = tpu.memref_squeeze %dma_start3A_237 : memref<1x128xi32, #tpu.memory_space<vmem>> -> memref<128xi32, #tpu.memory_space<vmem>>
      %dma_start3A_239 = tpu.memref_slice %arg3[%add3A_18] : memref<16384xi32, #tpu.memory_space<hbm>> -> memref<128xi32, #tpu.memory_space<hbm>>
      %dma_start3A_240 = arith.constant 0 : i32
      %dma_start3A_241 = tpu.memref_slice %arg9[%run_scoped3A_19, %dma_start3A_240] : memref<4x128xi32, #tpu.memory_space<vmem>> -> memref<1x128xi32, #tpu.memory_space<vmem>>
      %dma_start3A_242 = tpu.memref_squeeze %dma_start3A_241 : memref<1x128xi32, #tpu.memory_space<vmem>> -> memref<128xi32, #tpu.memory_space<vmem>>
      %dma_start3A_243 = tpu.memref_slice %arg3[%add3A_18] : memref<16384xi32, #tpu.memory_space<hbm>> -> memref<128xi32, #tpu.memory_space<hbm>>
      tpu.enqueue_dma source(%dma_start3A_243 : memref<128xi32, #tpu.memory_space<hbm>>) target(%dma_start3A_242 : memref<128xi32, #tpu.memory_space<vmem>>) target_semaphore(%run_scoped3A_235 : memref<!tpu.dma_semaphore, #tpu.memory_space<semaphore_mem>>)
      %dma_wait3A_244 = arith.constant 0 : i32
      %dma_wait3A_245 = tpu.memref_slice %arg9[%run_scoped3A_19, %dma_wait3A_244] : memref<4x128xi32, #tpu.memory_space<vmem>> -> memref<1x128xi32, #tpu.memory_space<vmem>>
      %dma_wait3A_246 = tpu.memref_squeeze %dma_wait3A_245 : memref<1x128xi32, #tpu.memory_space<vmem>> -> memref<128xi32, #tpu.memory_space<vmem>>
      %dma_wait3A_247 = tpu.memref_slice %arg3[%add3A_18] : memref<16384xi32, #tpu.memory_space<hbm>> -> memref<128xi32, #tpu.memory_space<hbm>>
      %dma_wait3A_248 = arith.constant 0 : i32
      %dma_wait3A_249 = tpu.memref_slice %arg9[%run_scoped3A_19, %dma_wait3A_248] : memref<4x128xi32, #tpu.memory_space<vmem>> -> memref<1x128xi32, #tpu.memory_space<vmem>>
      %dma_wait3A_250 = tpu.memref_squeeze %dma_wait3A_249 : memref<1x128xi32, #tpu.memory_space<vmem>> -> memref<128xi32, #tpu.memory_space<vmem>>
      %dma_wait3A_251 = tpu.memref_slice %arg3[%add3A_18] : memref<16384xi32, #tpu.memory_space<hbm>> -> memref<128xi32, #tpu.memory_space<hbm>>
      tpu.wait_dma2 semaphore(%run_scoped3A_235 : memref<!tpu.dma_semaphore, #tpu.memory_space<semaphore_mem>>) src(%dma_wait3A_251 : memref<128xi32, #tpu.memory_space<hbm>>) dst(%dma_wait3A_250 : memref<128xi32, #tpu.memory_space<vmem>>)
      tpu.yield
    }) : () -> ()
    %add3A_20 = arith.constant 384 : i32
    %add3A_21 = arith.addi %mul3A_2, %add3A_20 : i32
    %run_scoped3A_22 = arith.constant 3 : i32
    "tpu.region"() ({
      %run_scoped3A_235 = tpu.sem_alloc : memref<!tpu.dma_semaphore, #tpu.memory_space<semaphore_mem>>
      %dma_start3A_236 = arith.constant 0 : i32
      %dma_start3A_237 = tpu.memref_slice %arg8[%run_scoped3A_22, %dma_start3A_236] : memref<4x128xi32, #tpu.memory_space<vmem>> -> memref<1x128xi32, #tpu.memory_space<vmem>>
      %dma_start3A_238 = tpu.memref_squeeze %dma_start3A_237 : memref<1x128xi32, #tpu.memory_space<vmem>> -> memref<128xi32, #tpu.memory_space<vmem>>
      %dma_start3A_239 = tpu.memref_slice %arg2[%add3A_21] : memref<16384xi32, #tpu.memory_space<hbm>> -> memref<128xi32, #tpu.memory_space<hbm>>
      %dma_start3A_240 = arith.constant 0 : i32
      %dma_start3A_241 = tpu.memref_slice %arg8[%run_scoped3A_22, %dma_start3A_240] : memref<4x128xi32, #tpu.memory_space<vmem>> -> memref<1x128xi32, #tpu.memory_space<vmem>>
      %dma_start3A_242 = tpu.memref_squeeze %dma_start3A_241 : memref<1x128xi32, #tpu.memory_space<vmem>> -> memref<128xi32, #tpu.memory_space<vmem>>
      %dma_start3A_243 = tpu.memref_slice %arg2[%add3A_21] : memref<16384xi32, #tpu.memory_space<hbm>> -> memref<128xi32, #tpu.memory_space<hbm>>
      tpu.enqueue_dma source(%dma_start3A_243 : memref<128xi32, #tpu.memory_space<hbm>>) target(%dma_start3A_242 : memref<128xi32, #tpu.memory_space<vmem>>) target_semaphore(%run_scoped3A_235 : memref<!tpu.dma_semaphore, #tpu.memory_space<semaphore_mem>>)
      %dma_wait3A_244 = arith.constant 0 : i32
      %dma_wait3A_245 = tpu.memref_slice %arg8[%run_scoped3A_22, %dma_wait3A_244] : memref<4x128xi32, #tpu.memory_space<vmem>> -> memref<1x128xi32, #tpu.memory_space<vmem>>
      %dma_wait3A_246 = tpu.memref_squeeze %dma_wait3A_245 : memref<1x128xi32, #tpu.memory_space<vmem>> -> memref<128xi32, #tpu.memory_space<vmem>>
      %dma_wait3A_247 = tpu.memref_slice %arg2[%add3A_21] : memref<16384xi32, #tpu.memory_space<hbm>> -> memref<128xi32, #tpu.memory_space<hbm>>
      %dma_wait3A_248 = arith.constant 0 : i32
      %dma_wait3A_249 = tpu.memref_slice %arg8[%run_scoped3A_22, %dma_wait3A_248] : memref<4x128xi32, #tpu.memory_space<vmem>> -> memref<1x128xi32, #tpu.memory_space<vmem>>
      %dma_wait3A_250 = tpu.memref_squeeze %dma_wait3A_249 : memref<1x128xi32, #tpu.memory_space<vmem>> -> memref<128xi32, #tpu.memory_space<vmem>>
      %dma_wait3A_251 = tpu.memref_slice %arg2[%add3A_21] : memref<16384xi32, #tpu.memory_space<hbm>> -> memref<128xi32, #tpu.memory_space<hbm>>
      tpu.wait_dma2 semaphore(%run_scoped3A_235 : memref<!tpu.dma_semaphore, #tpu.memory_space<semaphore_mem>>) src(%dma_wait3A_251 : memref<128xi32, #tpu.memory_space<hbm>>) dst(%dma_wait3A_250 : memref<128xi32, #tpu.memory_space<vmem>>)
      tpu.yield
    }) : () -> ()
    %add3A_23 = arith.constant 384 : i32
    %add3A_24 = arith.addi %mul3A_2, %add3A_23 : i32
    %run_scoped3A_25 = arith.constant 3 : i32
    "tpu.region"() ({
      %run_scoped3A_235 = tpu.sem_alloc : memref<!tpu.dma_semaphore, #tpu.memory_space<semaphore_mem>>
      %dma_start3A_236 = arith.constant 0 : i32
      %dma_start3A_237 = tpu.memref_slice %arg9[%run_scoped3A_25, %dma_start3A_236] : memref<4x128xi32, #tpu.memory_space<vmem>> -> memref<1x128xi32, #tpu.memory_space<vmem>>
      %dma_start3A_238 = tpu.memref_squeeze %dma_start3A_237 : memref<1x128xi32, #tpu.memory_space<vmem>> -> memref<128xi32, #tpu.memory_space<vmem>>
      %dma_start3A_239 = tpu.memref_slice %arg3[%add3A_24] : memref<16384xi32, #tpu.memory_space<hbm>> -> memref<128xi32, #tpu.memory_space<hbm>>
      %dma_start3A_240 = arith.constant 0 : i32
      %dma_start3A_241 = tpu.memref_slice %arg9[%run_scoped3A_25, %dma_start3A_240] : memref<4x128xi32, #tpu.memory_space<vmem>> -> memref<1x128xi32, #tpu.memory_space<vmem>>
      %dma_start3A_242 = tpu.memref_squeeze %dma_start3A_241 : memref<1x128xi32, #tpu.memory_space<vmem>> -> memref<128xi32, #tpu.memory_space<vmem>>
      %dma_start3A_243 = tpu.memref_slice %arg3[%add3A_24] : memref<16384xi32, #tpu.memory_space<hbm>> -> memref<128xi32, #tpu.memory_space<hbm>>
      tpu.enqueue_dma source(%dma_start3A_243 : memref<128xi32, #tpu.memory_space<hbm>>) target(%dma_start3A_242 : memref<128xi32, #tpu.memory_space<vmem>>) target_semaphore(%run_scoped3A_235 : memref<!tpu.dma_semaphore, #tpu.memory_space<semaphore_mem>>)
      %dma_wait3A_244 = arith.constant 0 : i32
      %dma_wait3A_245 = tpu.memref_slice %arg9[%run_scoped3A_25, %dma_wait3A_244] : memref<4x128xi32, #tpu.memory_space<vmem>> -> memref<1x128xi32, #tpu.memory_space<vmem>>
      %dma_wait3A_246 = tpu.memref_squeeze %dma_wait3A_245 : memref<1x128xi32, #tpu.memory_space<vmem>> -> memref<128xi32, #tpu.memory_space<vmem>>
      %dma_wait3A_247 = tpu.memref_slice %arg3[%add3A_24] : memref<16384xi32, #tpu.memory_space<hbm>> -> memref<128xi32, #tpu.memory_space<hbm>>
      %dma_wait3A_248 = arith.constant 0 : i32
      %dma_wait3A_249 = tpu.memref_slice %arg9[%run_scoped3A_25, %dma_wait3A_248] : memref<4x128xi32, #tpu.memory_space<vmem>> -> memref<1x128xi32, #tpu.memory_space<vmem>>
      %dma_wait3A_250 = tpu.memref_squeeze %dma_wait3A_249 : memref<1x128xi32, #tpu.memory_space<vmem>> -> memref<128xi32, #tpu.memory_space<vmem>>
      %dma_wait3A_251 = tpu.memref_slice %arg3[%add3A_24] : memref<16384xi32, #tpu.memory_space<hbm>> -> memref<128xi32, #tpu.memory_space<hbm>>
      tpu.wait_dma2 semaphore(%run_scoped3A_235 : memref<!tpu.dma_semaphore, #tpu.memory_space<semaphore_mem>>) src(%dma_wait3A_251 : memref<128xi32, #tpu.memory_space<hbm>>) dst(%dma_wait3A_250 : memref<128xi32, #tpu.memory_space<vmem>>)
      tpu.yield
    }) : () -> ()
    "tpu.region"() ({
      %run_scoped3A_235 = tpu.sem_alloc : memref<!tpu.dma_semaphore, #tpu.memory_space<semaphore_mem>>
      %dma_start3A_236 = tpu.memref_slice %arg4[%mul3A_2] : memref<16384xf32, #tpu.memory_space<hbm>> -> memref<512xf32, #tpu.memory_space<hbm>>
      %dma_start3A_237 = tpu.memref_slice %arg4[%mul3A_2] : memref<16384xf32, #tpu.memory_space<hbm>> -> memref<512xf32, #tpu.memory_space<hbm>>
      tpu.enqueue_dma source(%dma_start3A_237 : memref<512xf32, #tpu.memory_space<hbm>>) target(%arg12 : memref<512xf32, #tpu.memory_space<vmem>>) target_semaphore(%run_scoped3A_235 : memref<!tpu.dma_semaphore, #tpu.memory_space<semaphore_mem>>)
      %dma_wait3A_238 = tpu.memref_slice %arg4[%mul3A_2] : memref<16384xf32, #tpu.memory_space<hbm>> -> memref<512xf32, #tpu.memory_space<hbm>>
      %dma_wait3A_239 = tpu.memref_slice %arg4[%mul3A_2] : memref<16384xf32, #tpu.memory_space<hbm>> -> memref<512xf32, #tpu.memory_space<hbm>>
      tpu.wait_dma2 semaphore(%run_scoped3A_235 : memref<!tpu.dma_semaphore, #tpu.memory_space<semaphore_mem>>) src(%dma_wait3A_239 : memref<512xf32, #tpu.memory_space<hbm>>) dst(%arg12 : memref<512xf32, #tpu.memory_space<vmem>>)
      tpu.yield
    }) : () -> ()
    %iota3A = tpu.iota {dimensions = array<i32: 0>} : vector<16xi32>
    %dma_start3A = arith.constant 0 : i32
    %dma_start3A_26 = arith.constant 0 : i32
    %dma_start3A_27 = arith.constant 0 : i32
    %dma_start3A_28 = tpu.memref_slice %arg10[%dma_start3A_26, %dma_start3A_27] : memref<256x128xf32, #tpu.memory_space<vmem>> -> memref<128x128xf32, #tpu.memory_space<vmem>>
    %dma_start3A_29 = arith.constant 0 : i32
    %dma_start3A_30 = tpu.memref_slice %arg8[%dma_start3A, %dma_start3A_29] : memref<4x128xi32, #tpu.memory_space<vmem>> -> memref<1x128xi32, #tpu.memory_space<vmem>>
    %dma_start3A_31 = tpu.memref_squeeze %dma_start3A_30 : memref<1x128xi32, #tpu.memory_space<vmem>> -> memref<128xi32, #tpu.memory_space<vmem>>
    %dma_start3A_32 = arith.constant 0 : i32
    %dma_start3A_33 = arith.constant 0 : i32
    %dma_start3A_34 = tpu.memref_slice %arg5[%dma_start3A_32, %dma_start3A_33] : memref<106496x128xf32, #tpu.memory_space<hbm>> -> memref<106496x128xf32, #tpu.memory_space<hbm>>
    tpu.enqueue_indirect_dma source(%dma_start3A_34 : memref<106496x128xf32, #tpu.memory_space<hbm>>) target(%dma_start3A_28 : memref<128x128xf32, #tpu.memory_space<vmem>>) offsets(%dma_start3A_31 : memref<128xi32, #tpu.memory_space<vmem>>) semaphore(%arg15 : memref<!tpu.dma_semaphore, #tpu.memory_space<semaphore_mem>>)
    %dma_start3A_35 = arith.constant 0 : i32
    %dma_start3A_36 = arith.constant 0 : i32
    %dma_start3A_37 = arith.constant 0 : i32
    %dma_start3A_38 = tpu.memref_slice %arg11[%dma_start3A_36, %dma_start3A_37] : memref<256x128xf32, #tpu.memory_space<vmem>> -> memref<128x128xf32, #tpu.memory_space<vmem>>
    %dma_start3A_39 = arith.constant 0 : i32
    %dma_start3A_40 = tpu.memref_slice %arg9[%dma_start3A_35, %dma_start3A_39] : memref<4x128xi32, #tpu.memory_space<vmem>> -> memref<1x128xi32, #tpu.memory_space<vmem>>
    %dma_start3A_41 = tpu.memref_squeeze %dma_start3A_40 : memref<1x128xi32, #tpu.memory_space<vmem>> -> memref<128xi32, #tpu.memory_space<vmem>>
    %dma_start3A_42 = arith.constant 0 : i32
    %dma_start3A_43 = arith.constant 0 : i32
    %dma_start3A_44 = tpu.memref_slice %arg5[%dma_start3A_42, %dma_start3A_43] : memref<106496x128xf32, #tpu.memory_space<hbm>> -> memref<106496x128xf32, #tpu.memory_space<hbm>>
    tpu.enqueue_indirect_dma source(%dma_start3A_44 : memref<106496x128xf32, #tpu.memory_space<hbm>>) target(%dma_start3A_38 : memref<128x128xf32, #tpu.memory_space<vmem>>) offsets(%dma_start3A_41 : memref<128xi32, #tpu.memory_space<vmem>>) semaphore(%arg15 : memref<!tpu.dma_semaphore, #tpu.memory_space<semaphore_mem>>)
    %broadcast_in_dim3A = arith.constant 0.000000e+00 : f32
    %broadcast_in_dim3A_45 = vector.broadcast %broadcast_in_dim3A : f32 to vector<16xf32>
    %dma_start3A_46 = arith.constant 1 : i32
    %dma_start3A_47 = arith.constant 128 : i32
    %dma_start3A_48 = arith.constant 0 : i32
    %dma_start3A_49 = tpu.memref_slice %arg10[%dma_start3A_47, %dma_start3A_48] : memref<256x128xf32, #tpu.memory_space<vmem>> -> memref<128x128xf32, #tpu.memory_space<vmem>>
    %dma_start3A_50 = arith.constant 0 : i32
    %dma_start3A_51 = tpu.memref_slice %arg8[%dma_start3A_46, %dma_start3A_50] : memref<4x128xi32, #tpu.memory_space<vmem>> -> memref<1x128xi32, #tpu.memory_space<vmem>>
    %dma_start3A_52 = tpu.memref_squeeze %dma_start3A_51 : memref<1x128xi32, #tpu.memory_space<vmem>> -> memref<128xi32, #tpu.memory_space<vmem>>
    %dma_start3A_53 = arith.constant 0 : i32
    %dma_start3A_54 = arith.constant 0 : i32
    %dma_start3A_55 = tpu.memref_slice %arg5[%dma_start3A_53, %dma_start3A_54] : memref<106496x128xf32, #tpu.memory_space<hbm>> -> memref<106496x128xf32, #tpu.memory_space<hbm>>
    tpu.enqueue_indirect_dma source(%dma_start3A_55 : memref<106496x128xf32, #tpu.memory_space<hbm>>) target(%dma_start3A_49 : memref<128x128xf32, #tpu.memory_space<vmem>>) offsets(%dma_start3A_52 : memref<128xi32, #tpu.memory_space<vmem>>) semaphore(%arg16 : memref<!tpu.dma_semaphore, #tpu.memory_space<semaphore_mem>>)
    %dma_start3A_56 = arith.constant 1 : i32
    %dma_start3A_57 = arith.constant 128 : i32
    %dma_start3A_58 = arith.constant 0 : i32
    %dma_start3A_59 = tpu.memref_slice %arg11[%dma_start3A_57, %dma_start3A_58] : memref<256x128xf32, #tpu.memory_space<vmem>> -> memref<128x128xf32, #tpu.memory_space<vmem>>
    %dma_start3A_60 = arith.constant 0 : i32
    %dma_start3A_61 = tpu.memref_slice %arg9[%dma_start3A_56, %dma_start3A_60] : memref<4x128xi32, #tpu.memory_space<vmem>> -> memref<1x128xi32, #tpu.memory_space<vmem>>
    %dma_start3A_62 = tpu.memref_squeeze %dma_start3A_61 : memref<1x128xi32, #tpu.memory_space<vmem>> -> memref<128xi32, #tpu.memory_space<vmem>>
    %dma_start3A_63 = arith.constant 0 : i32
    %dma_start3A_64 = arith.constant 0 : i32
    %dma_start3A_65 = tpu.memref_slice %arg5[%dma_start3A_63, %dma_start3A_64] : memref<106496x128xf32, #tpu.memory_space<hbm>> -> memref<106496x128xf32, #tpu.memory_space<hbm>>
    tpu.enqueue_indirect_dma source(%dma_start3A_65 : memref<106496x128xf32, #tpu.memory_space<hbm>>) target(%dma_start3A_59 : memref<128x128xf32, #tpu.memory_space<vmem>>) offsets(%dma_start3A_62 : memref<128xi32, #tpu.memory_space<vmem>>) semaphore(%arg16 : memref<!tpu.dma_semaphore, #tpu.memory_space<semaphore_mem>>)
    %dma_wait3A = arith.constant 0 : i32
    %dma_wait3A_66 = arith.constant 0 : i32
    %dma_wait3A_67 = tpu.memref_slice %arg10[%dma_wait3A, %dma_wait3A_66] : memref<256x128xf32, #tpu.memory_space<vmem>> -> memref<128x128xf32, #tpu.memory_space<vmem>>
    %dma_wait3A_68 = arith.constant 0 : i32
    %dma_wait3A_69 = arith.constant 0 : i32
    %dma_wait3A_70 = tpu.memref_slice %arg5[%dma_wait3A_68, %dma_wait3A_69] : memref<106496x128xf32, #tpu.memory_space<hbm>> -> memref<128x128xf32, #tpu.memory_space<hbm>>
    %dma_wait3A_71 = arith.constant 0 : i32
    %dma_wait3A_72 = arith.constant 0 : i32
    %dma_wait3A_73 = tpu.memref_slice %arg10[%dma_wait3A_71, %dma_wait3A_72] : memref<256x128xf32, #tpu.memory_space<vmem>> -> memref<128x128xf32, #tpu.memory_space<vmem>>
    %dma_wait3A_74 = arith.constant 0 : i32
    %dma_wait3A_75 = arith.constant 0 : i32
    %dma_wait3A_76 = tpu.memref_slice %arg5[%dma_wait3A_74, %dma_wait3A_75] : memref<106496x128xf32, #tpu.memory_space<hbm>> -> memref<128x128xf32, #tpu.memory_space<hbm>>
    tpu.wait_dma2 semaphore(%arg15 : memref<!tpu.dma_semaphore, #tpu.memory_space<semaphore_mem>>) src(%dma_wait3A_76 : memref<128x128xf32, #tpu.memory_space<hbm>>) dst(%dma_wait3A_73 : memref<128x128xf32, #tpu.memory_space<vmem>>)
    %dma_wait3A_77 = arith.constant 0 : i32
    %dma_wait3A_78 = arith.constant 0 : i32
    %dma_wait3A_79 = tpu.memref_slice %arg11[%dma_wait3A_77, %dma_wait3A_78] : memref<256x128xf32, #tpu.memory_space<vmem>> -> memref<128x128xf32, #tpu.memory_space<vmem>>
    %dma_wait3A_80 = arith.constant 0 : i32
    %dma_wait3A_81 = arith.constant 0 : i32
    %dma_wait3A_82 = tpu.memref_slice %arg5[%dma_wait3A_80, %dma_wait3A_81] : memref<106496x128xf32, #tpu.memory_space<hbm>> -> memref<128x128xf32, #tpu.memory_space<hbm>>
    %dma_wait3A_83 = arith.constant 0 : i32
    %dma_wait3A_84 = arith.constant 0 : i32
    %dma_wait3A_85 = tpu.memref_slice %arg11[%dma_wait3A_83, %dma_wait3A_84] : memref<256x128xf32, #tpu.memory_space<vmem>> -> memref<128x128xf32, #tpu.memory_space<vmem>>
    %dma_wait3A_86 = arith.constant 0 : i32
    %dma_wait3A_87 = arith.constant 0 : i32
    %dma_wait3A_88 = tpu.memref_slice %arg5[%dma_wait3A_86, %dma_wait3A_87] : memref<106496x128xf32, #tpu.memory_space<hbm>> -> memref<128x128xf32, #tpu.memory_space<hbm>>
    tpu.wait_dma2 semaphore(%arg15 : memref<!tpu.dma_semaphore, #tpu.memory_space<semaphore_mem>>) src(%dma_wait3A_88 : memref<128x128xf32, #tpu.memory_space<hbm>>) dst(%dma_wait3A_85 : memref<128x128xf32, #tpu.memory_space<vmem>>)
    %scan3A = arith.constant 1.562500e-02 : f32
    %scan3A_89 = arith.constant 2.500000e-01 : f32
    %scan3A_90 = arith.constant 0 : i32
    %scan3A_91 = arith.constant 8 : i32
    %scan3A_92 = arith.addi %scan3A_90, %scan3A_91 : i32
    %scan3A_93 = arith.constant 1 : i32
    %scan3A_94 = scf.for %scan3A_235 = %scan3A_90 to %scan3A_92 step %scan3A_93 iter_args(%scan3A_236 = %broadcast_in_dim3A_45) -> (vector<16xf32>)  : i32 {
      %mul3A_237 = arith.constant 16 : i32
      %mul3A_238 = arith.muli %scan3A_235, %mul3A_237 : i32
      %add3A_239 = arith.constant 0 : i32
      %add3A_240 = arith.addi %add3A_239, %mul3A_238 : i32
      %add3A_241 = vector.broadcast %add3A_240 : i32 to vector<16xi32>
      %add3A_242 = arith.addi %add3A_241, %iota3A : vector<16xi32>
      %broadcast_in_dim3A_243 = arith.constant 0.000000e+00 : f32
      %broadcast_in_dim3A_244 = vector.broadcast %broadcast_in_dim3A_243 : f32 to vector<16xf32>
      %scan3A_245 = arith.constant 0 : i32
      %scan3A_246 = arith.constant 8 : i32
      %scan3A_247 = arith.addi %scan3A_245, %scan3A_246 : i32
      %scan3A_248 = arith.constant 1 : i32
      %scan3A_249:5 = scf.for %scan3A_326 = %scan3A_245 to %scan3A_247 step %scan3A_248 iter_args(%scan3A_327 = %broadcast_in_dim3A_244, %scan3A_328 = %broadcast_in_dim3A_244, %scan3A_329 = %broadcast_in_dim3A_244, %scan3A_330 = %broadcast_in_dim3A_244, %scan3A_331 = %broadcast_in_dim3A_244) -> (vector<16xf32>, vector<16xf32>, vector<16xf32>, vector<16xf32>, vector<16xf32>)  : i32 {
        %mul3A_332 = arith.constant 8 : i32
        %mul3A_333 = arith.muli %scan3A_326, %mul3A_332 : i32
        %add3A_334 = arith.constant 0 : i32
        %add3A_335 = arith.addi %mul3A_333, %add3A_334 : i32
        %add3A_336 = vector.broadcast %add3A_335 : i32 to vector<16xi32>
        %add3A_337 = arith.addi %iota3A, %add3A_336 : vector<16xi32>
        %and3A = arith.constant 63 : i32
        %and3A_338 = vector.broadcast %and3A : i32 to vector<16xi32>
        %and3A_339 = arith.andi %add3A_337, %and3A_338 : vector<16xi32>
        %gather3A = tpu.vector_load_idx %arg10[%add3A_242, %and3A_339] : memref<256x128xf32, #tpu.memory_space<vmem>>[vector<16xi32>, vector<16xi32>], vector<16xf32>,
        %add3A_340 = arith.constant 64 : i32
        %add3A_341 = vector.broadcast %add3A_340 : i32 to vector<16xi32>
        %add3A_342 = arith.addi %and3A_339, %add3A_341 : vector<16xi32>
        %gather3A_343 = tpu.vector_load_idx %arg11[%add3A_242, %add3A_342] : memref<256x128xf32, #tpu.memory_space<vmem>>[vector<16xi32>, vector<16xi32>], vector<16xf32>,
        %add3A_344 = arith.addf %scan3A_327, %gather3A : vector<16xf32>
        %add3A_345 = arith.addf %scan3A_328, %gather3A_343 : vector<16xf32>
        %mul3A_346 = arith.mulf %gather3A, %gather3A : vector<16xf32>
        %add3A_347 = arith.addf %scan3A_329, %mul3A_346 : vector<16xf32>
        %mul3A_348 = arith.mulf %gather3A_343, %gather3A_343 : vector<16xf32>
        %add3A_349 = arith.addf %scan3A_330, %mul3A_348 : vector<16xf32>
        %mul3A_350 = arith.mulf %gather3A, %gather3A_343 : vector<16xf32>
        %add3A_351 = arith.addf %scan3A_331, %mul3A_350 : vector<16xf32>
        %mul3A_352 = arith.constant 8 : i32
        %mul3A_353 = arith.muli %scan3A_326, %mul3A_352 : i32
        %add3A_354 = arith.constant 1 : i32
        %add3A_355 = arith.addi %mul3A_353, %add3A_354 : i32
        %add3A_356 = vector.broadcast %add3A_355 : i32 to vector<16xi32>
        %add3A_357 = arith.addi %iota3A, %add3A_356 : vector<16xi32>
        %and3A_358 = arith.constant 63 : i32
        %and3A_359 = vector.broadcast %and3A_358 : i32 to vector<16xi32>
        %and3A_360 = arith.andi %add3A_357, %and3A_359 : vector<16xi32>
        %gather3A_361 = tpu.vector_load_idx %arg10[%add3A_242, %and3A_360] : memref<256x128xf32, #tpu.memory_space<vmem>>[vector<16xi32>, vector<16xi32>], vector<16xf32>,
        %add3A_362 = arith.constant 64 : i32
        %add3A_363 = vector.broadcast %add3A_362 : i32 to vector<16xi32>
        %add3A_364 = arith.addi %and3A_360, %add3A_363 : vector<16xi32>
        %gather3A_365 = tpu.vector_load_idx %arg11[%add3A_242, %add3A_364] : memref<256x128xf32, #tpu.memory_space<vmem>>[vector<16xi32>, vector<16xi32>], vector<16xf32>,
        %add3A_366 = arith.addf %add3A_344, %gather3A_361 : vector<16xf32>
        %add3A_367 = arith.addf %add3A_345, %gather3A_365 : vector<16xf32>
        %mul3A_368 = arith.mulf %gather3A_361, %gather3A_361 : vector<16xf32>
        %add3A_369 = arith.addf %add3A_347, %mul3A_368 : vector<16xf32>
        %mul3A_370 = arith.mulf %gather3A_365, %gather3A_365 : vector<16xf32>
        %add3A_371 = arith.addf %add3A_349, %mul3A_370 : vector<16xf32>
        %mul3A_372 = arith.mulf %gather3A_361, %gather3A_365 : vector<16xf32>
        %add3A_373 = arith.addf %add3A_351, %mul3A_372 : vector<16xf32>
        %mul3A_374 = arith.constant 8 : i32
        %mul3A_375 = arith.muli %scan3A_326, %mul3A_374 : i32
        %add3A_376 = arith.constant 2 : i32
        %add3A_377 = arith.addi %mul3A_375, %add3A_376 : i32
        %add3A_378 = vector.broadcast %add3A_377 : i32 to vector<16xi32>
        %add3A_379 = arith.addi %iota3A, %add3A_378 : vector<16xi32>
        %and3A_380 = arith.constant 63 : i32
        %and3A_381 = vector.broadcast %and3A_380 : i32 to vector<16xi32>
        %and3A_382 = arith.andi %add3A_379, %and3A_381 : vector<16xi32>
        %gather3A_383 = tpu.vector_load_idx %arg10[%add3A_242, %and3A_382] : memref<256x128xf32, #tpu.memory_space<vmem>>[vector<16xi32>, vector<16xi32>], vector<16xf32>,
        %add3A_384 = arith.constant 64 : i32
        %add3A_385 = vector.broadcast %add3A_384 : i32 to vector<16xi32>
        %add3A_386 = arith.addi %and3A_382, %add3A_385 : vector<16xi32>
        %gather3A_387 = tpu.vector_load_idx %arg11[%add3A_242, %add3A_386] : memref<256x128xf32, #tpu.memory_space<vmem>>[vector<16xi32>, vector<16xi32>], vector<16xf32>,
        %add3A_388 = arith.addf %add3A_366, %gather3A_383 : vector<16xf32>
        %add3A_389 = arith.addf %add3A_367, %gather3A_387 : vector<16xf32>
        %mul3A_390 = arith.mulf %gather3A_383, %gather3A_383 : vector<16xf32>
        %add3A_391 = arith.addf %add3A_369, %mul3A_390 : vector<16xf32>
        %mul3A_392 = arith.mulf %gather3A_387, %gather3A_387 : vector<16xf32>
        %add3A_393 = arith.addf %add3A_371, %mul3A_392 : vector<16xf32>
        %mul3A_394 = arith.mulf %gather3A_383, %gather3A_387 : vector<16xf32>
        %add3A_395 = arith.addf %add3A_373, %mul3A_394 : vector<16xf32>
        %mul3A_396 = arith.constant 8 : i32
        %mul3A_397 = arith.muli %scan3A_326, %mul3A_396 : i32
        %add3A_398 = arith.constant 3 : i32
        %add3A_399 = arith.addi %mul3A_397, %add3A_398 : i32
        %add3A_400 = vector.broadcast %add3A_399 : i32 to vector<16xi32>
        %add3A_401 = arith.addi %iota3A, %add3A_400 : vector<16xi32>
        %and3A_402 = arith.constant 63 : i32
        %and3A_403 = vector.broadcast %and3A_402 : i32 to vector<16xi32>
        %and3A_404 = arith.andi %add3A_401, %and3A_403 : vector<16xi32>
        %gather3A_405 = tpu.vector_load_idx %arg10[%add3A_242, %and3A_404] : memref<256x128xf32, #tpu.memory_space<vmem>>[vector<16xi32>, vector<16xi32>], vector<16xf32>,
        %add3A_406 = arith.constant 64 : i32
        %add3A_407 = vector.broadcast %add3A_406 : i32 to vector<16xi32>
        %add3A_408 = arith.addi %and3A_404, %add3A_407 : vector<16xi32>
        %gather3A_409 = tpu.vector_load_idx %arg11[%add3A_242, %add3A_408] : memref<256x128xf32, #tpu.memory_space<vmem>>[vector<16xi32>, vector<16xi32>], vector<16xf32>,
        %add3A_410 = arith.addf %add3A_388, %gather3A_405 : vector<16xf32>
        %add3A_411 = arith.addf %add3A_389, %gather3A_409 : vector<16xf32>
        %mul3A_412 = arith.mulf %gather3A_405, %gather3A_405 : vector<16xf32>
        %add3A_413 = arith.addf %add3A_391, %mul3A_412 : vector<16xf32>
        %mul3A_414 = arith.mulf %gather3A_409, %gather3A_409 : vector<16xf32>
        %add3A_415 = arith.addf %add3A_393, %mul3A_414 : vector<16xf32>
        %mul3A_416 = arith.mulf %gather3A_405, %gather3A_409 : vector<16xf32>
        %add3A_417 = arith.addf %add3A_395, %mul3A_416 : vector<16xf32>
        %mul3A_418 = arith.constant 8 : i32
        %mul3A_419 = arith.muli %scan3A_326, %mul3A_418 : i32
        %add3A_420 = arith.constant 4 : i32
        %add3A_421 = arith.addi %mul3A_419, %add3A_420 : i32
        %add3A_422 = vector.broadcast %add3A_421 : i32 to vector<16xi32>
        %add3A_423 = arith.addi %iota3A, %add3A_422 : vector<16xi32>
        %and3A_424 = arith.constant 63 : i32
        %and3A_425 = vector.broadcast %and3A_424 : i32 to vector<16xi32>
        %and3A_426 = arith.andi %add3A_423, %and3A_425 : vector<16xi32>
        %gather3A_427 = tpu.vector_load_idx %arg10[%add3A_242, %and3A_426] : memref<256x128xf32, #tpu.memory_space<vmem>>[vector<16xi32>, vector<16xi32>], vector<16xf32>,
        %add3A_428 = arith.constant 64 : i32
        %add3A_429 = vector.broadcast %add3A_428 : i32 to vector<16xi32>
        %add3A_430 = arith.addi %and3A_426, %add3A_429 : vector<16xi32>
        %gather3A_431 = tpu.vector_load_idx %arg11[%add3A_242, %add3A_430] : memref<256x128xf32, #tpu.memory_space<vmem>>[vector<16xi32>, vector<16xi32>], vector<16xf32>,
        %add3A_432 = arith.addf %add3A_410, %gather3A_427 : vector<16xf32>
        %add3A_433 = arith.addf %add3A_411, %gather3A_431 : vector<16xf32>
        %mul3A_434 = arith.mulf %gather3A_427, %gather3A_427 : vector<16xf32>
        %add3A_435 = arith.addf %add3A_413, %mul3A_434 : vector<16xf32>
        %mul3A_436 = arith.mulf %gather3A_431, %gather3A_431 : vector<16xf32>
        %add3A_437 = arith.addf %add3A_415, %mul3A_436 : vector<16xf32>
        %mul3A_438 = arith.mulf %gather3A_427, %gather3A_431 : vector<16xf32>
        %add3A_439 = arith.addf %add3A_417, %mul3A_438 : vector<16xf32>
        %mul3A_440 = arith.constant 8 : i32
        %mul3A_441 = arith.muli %scan3A_326, %mul3A_440 : i32
        %add3A_442 = arith.constant 5 : i32
        %add3A_443 = arith.addi %mul3A_441, %add3A_442 : i32
        %add3A_444 = vector.broadcast %add3A_443 : i32 to vector<16xi32>
        %add3A_445 = arith.addi %iota3A, %add3A_444 : vector<16xi32>
        %and3A_446 = arith.constant 63 : i32
        %and3A_447 = vector.broadcast %and3A_446 : i32 to vector<16xi32>
        %and3A_448 = arith.andi %add3A_445, %and3A_447 : vector<16xi32>
        %gather3A_449 = tpu.vector_load_idx %arg10[%add3A_242, %and3A_448] : memref<256x128xf32, #tpu.memory_space<vmem>>[vector<16xi32>, vector<16xi32>], vector<16xf32>,
        %add3A_450 = arith.constant 64 : i32
        %add3A_451 = vector.broadcast %add3A_450 : i32 to vector<16xi32>
        %add3A_452 = arith.addi %and3A_448, %add3A_451 : vector<16xi32>
        %gather3A_453 = tpu.vector_load_idx %arg11[%add3A_242, %add3A_452] : memref<256x128xf32, #tpu.memory_space<vmem>>[vector<16xi32>, vector<16xi32>], vector<16xf32>,
        %add3A_454 = arith.addf %add3A_432, %gather3A_449 : vector<16xf32>
        %add3A_455 = arith.addf %add3A_433, %gather3A_453 : vector<16xf32>
        %mul3A_456 = arith.mulf %gather3A_449, %gather3A_449 : vector<16xf32>
        %add3A_457 = arith.addf %add3A_435, %mul3A_456 : vector<16xf32>
        %mul3A_458 = arith.mulf %gather3A_453, %gather3A_453 : vector<16xf32>
        %add3A_459 = arith.addf %add3A_437, %mul3A_458 : vector<16xf32>
        %mul3A_460 = arith.mulf %gather3A_449, %gather3A_453 : vector<16xf32>
        %add3A_461 = arith.addf %add3A_439, %mul3A_460 : vector<16xf32>
        %mul3A_462 = arith.constant 8 : i32
        %mul3A_463 = arith.muli %scan3A_326, %mul3A_462 : i32
        %add3A_464 = arith.constant 6 : i32
        %add3A_465 = arith.addi %mul3A_463, %add3A_464 : i32
        %add3A_466 = vector.broadcast %add3A_465 : i32 to vector<16xi32>
        %add3A_467 = arith.addi %iota3A, %add3A_466 : vector<16xi32>
        %and3A_468 = arith.constant 63 : i32
        %and3A_469 = vector.broadcast %and3A_468 : i32 to vector<16xi32>
        %and3A_470 = arith.andi %add3A_467, %and3A_469 : vector<16xi32>
        %gather3A_471 = tpu.vector_load_idx %arg10[%add3A_242, %and3A_470] : memref<256x128xf32, #tpu.memory_space<vmem>>[vector<16xi32>, vector<16xi32>], vector<16xf32>,
        %add3A_472 = arith.constant 64 : i32
        %add3A_473 = vector.broadcast %add3A_472 : i32 to vector<16xi32>
        %add3A_474 = arith.addi %and3A_470, %add3A_473 : vector<16xi32>
        %gather3A_475 = tpu.vector_load_idx %arg11[%add3A_242, %add3A_474] : memref<256x128xf32, #tpu.memory_space<vmem>>[vector<16xi32>, vector<16xi32>], vector<16xf32>,
        %add3A_476 = arith.addf %add3A_454, %gather3A_471 : vector<16xf32>
        %add3A_477 = arith.addf %add3A_455, %gather3A_475 : vector<16xf32>
        %mul3A_478 = arith.mulf %gather3A_471, %gather3A_471 : vector<16xf32>
        %add3A_479 = arith.addf %add3A_457, %mul3A_478 : vector<16xf32>
        %mul3A_480 = arith.mulf %gather3A_475, %gather3A_475 : vector<16xf32>
        %add3A_481 = arith.addf %add3A_459, %mul3A_480 : vector<16xf32>
        %mul3A_482 = arith.mulf %gather3A_471, %gather3A_475 : vector<16xf32>
        %add3A_483 = arith.addf %add3A_461, %mul3A_482 : vector<16xf32>
        %mul3A_484 = arith.constant 8 : i32
        %mul3A_485 = arith.muli %scan3A_326, %mul3A_484 : i32
        %add3A_486 = arith.constant 7 : i32
        %add3A_487 = arith.addi %mul3A_485, %add3A_486 : i32
        %add3A_488 = vector.broadcast %add3A_487 : i32 to vector<16xi32>
        %add3A_489 = arith.addi %iota3A, %add3A_488 : vector<16xi32>
        %and3A_490 = arith.constant 63 : i32
        %and3A_491 = vector.broadcast %and3A_490 : i32 to vector<16xi32>
        %and3A_492 = arith.andi %add3A_489, %and3A_491 : vector<16xi32>
        %gather3A_493 = tpu.vector_load_idx %arg10[%add3A_242, %and3A_492] : memref<256x128xf32, #tpu.memory_space<vmem>>[vector<16xi32>, vector<16xi32>], vector<16xf32>,
        %add3A_494 = arith.constant 64 : i32
        %add3A_495 = vector.broadcast %add3A_494 : i32 to vector<16xi32>
        %add3A_496 = arith.addi %and3A_492, %add3A_495 : vector<16xi32>
        %gather3A_497 = tpu.vector_load_idx %arg11[%add3A_242, %add3A_496] : memref<256x128xf32, #tpu.memory_space<vmem>>[vector<16xi32>, vector<16xi32>], vector<16xf32>,
        %add3A_498 = arith.addf %add3A_476, %gather3A_493 : vector<16xf32>
        %add3A_499 = arith.addf %add3A_477, %gather3A_497 : vector<16xf32>
        %mul3A_500 = arith.mulf %gather3A_493, %gather3A_493 : vector<16xf32>
        %add3A_501 = arith.addf %add3A_479, %mul3A_500 : vector<16xf32>
        %mul3A_502 = arith.mulf %gather3A_497, %gather3A_497 : vector<16xf32>
        %add3A_503 = arith.addf %add3A_481, %mul3A_502 : vector<16xf32>
        %mul3A_504 = arith.mulf %gather3A_493, %gather3A_497 : vector<16xf32>
        %add3A_505 = arith.addf %add3A_483, %mul3A_504 : vector<16xf32>
        scf.yield %add3A_498, %add3A_499, %add3A_501, %add3A_503, %add3A_505 : vector<16xf32>, vector<16xf32>, vector<16xf32>, vector<16xf32>, vector<16xf32>
      }
      %scan3A_250 = arith.constant 8 : i32
      %mul3A_251 = arith.mulf %scan3A_249#0, %scan3A_249#1 : vector<16xf32>
      %mul3A_252 = vector.broadcast %scan3A : f32 to vector<16xf32>
      %mul3A_253 = arith.mulf %mul3A_251, %mul3A_252 : vector<16xf32>
      %sub3A = arith.subf %scan3A_249#4, %mul3A_253 : vector<16xf32>
      %mul3A_254 = arith.mulf %scan3A_249#0, %scan3A_249#0 : vector<16xf32>
      %mul3A_255 = vector.broadcast %scan3A : f32 to vector<16xf32>
      %mul3A_256 = arith.mulf %mul3A_254, %mul3A_255 : vector<16xf32>
      %sub3A_257 = arith.subf %scan3A_249#2, %mul3A_256 : vector<16xf32>
      %max3A = arith.constant 1.000000e-24 : f32
      %max3A_258 = vector.broadcast %max3A : f32 to vector<16xf32>
      %max3A_259 = arith.maximumf %sub3A_257, %max3A_258 : vector<16xf32>
      %mul3A_260 = arith.mulf %scan3A_249#1, %scan3A_249#1 : vector<16xf32>
      %mul3A_261 = vector.broadcast %scan3A : f32 to vector<16xf32>
      %mul3A_262 = arith.mulf %mul3A_260, %mul3A_261 : vector<16xf32>
      %sub3A_263 = arith.subf %scan3A_249#3, %mul3A_262 : vector<16xf32>
      %max3A_264 = arith.constant 1.000000e-24 : f32
      %max3A_265 = vector.broadcast %max3A_264 : f32 to vector<16xf32>
      %max3A_266 = arith.maximumf %sub3A_263, %max3A_265 : vector<16xf32>
      %mul3A_267 = arith.mulf %max3A_259, %max3A_266 : vector<16xf32>
      %max3A_268 = arith.constant 1.000000e-30 : f32
      %max3A_269 = vector.broadcast %max3A_268 : f32 to vector<16xf32>
      %max3A_270 = arith.maximumf %mul3A_267, %max3A_269 : vector<16xf32>
      %bitcast3A = vector.bitcast %max3A_270 : vector<16xf32> to vector<16xi32>
      %shift_right_arithmetic3A = arith.constant 1 : i32
      %shift_right_arithmetic3A_271 = vector.broadcast %shift_right_arithmetic3A : i32 to vector<16xi32>
      %shift_right_arithmetic3A_272 = arith.shrsi %bitcast3A, %shift_right_arithmetic3A_271 : vector<16xi32>
      %sub3A_273 = arith.constant 1597463007 : i32
      %sub3A_274 = vector.broadcast %sub3A_273 : i32 to vector<16xi32>
      %sub3A_275 = arith.subi %sub3A_274, %shift_right_arithmetic3A_272 : vector<16xi32>
      %bitcast3A_276 = vector.bitcast %sub3A_275 : vector<16xi32> to vector<16xf32>
      %mul3A_277 = arith.constant 5.000000e-01 : f32
      %mul3A_278 = vector.broadcast %mul3A_277 : f32 to vector<16xf32>
      %mul3A_279 = arith.mulf %mul3A_278, %max3A_270 : vector<16xf32>
      %mul3A_280 = arith.mulf %mul3A_279, %bitcast3A_276 : vector<16xf32>
      %mul3A_281 = arith.mulf %mul3A_280, %bitcast3A_276 : vector<16xf32>
      %sub3A_282 = arith.constant 1.500000e+00 : f32
      %sub3A_283 = vector.broadcast %sub3A_282 : f32 to vector<16xf32>
      %sub3A_284 = arith.subf %sub3A_283, %mul3A_281 : vector<16xf32>
      %mul3A_285 = arith.mulf %bitcast3A_276, %sub3A_284 : vector<16xf32>
      %mul3A_286 = arith.constant 5.000000e-01 : f32
      %mul3A_287 = vector.broadcast %mul3A_286 : f32 to vector<16xf32>
      %mul3A_288 = arith.mulf %mul3A_287, %max3A_270 : vector<16xf32>
      %mul3A_289 = arith.mulf %mul3A_288, %mul3A_285 : vector<16xf32>
      %mul3A_290 = arith.mulf %mul3A_289, %mul3A_285 : vector<16xf32>
      %sub3A_291 = arith.constant 1.500000e+00 : f32
      %sub3A_292 = vector.broadcast %sub3A_291 : f32 to vector<16xf32>
      %sub3A_293 = arith.subf %sub3A_292, %mul3A_290 : vector<16xf32>
      %mul3A_294 = arith.mulf %mul3A_285, %sub3A_293 : vector<16xf32>
      %mul3A_295 = arith.constant 5.000000e-01 : f32
      %mul3A_296 = vector.broadcast %mul3A_295 : f32 to vector<16xf32>
      %mul3A_297 = arith.mulf %mul3A_296, %max3A_270 : vector<16xf32>
      %mul3A_298 = arith.mulf %mul3A_297, %mul3A_294 : vector<16xf32>
      %mul3A_299 = arith.mulf %mul3A_298, %mul3A_294 : vector<16xf32>
      %sub3A_300 = arith.constant 1.500000e+00 : f32
      %sub3A_301 = vector.broadcast %sub3A_300 : f32 to vector<16xf32>
      %sub3A_302 = arith.subf %sub3A_301, %mul3A_299 : vector<16xf32>
      %mul3A_303 = arith.mulf %mul3A_294, %sub3A_302 : vector<16xf32>
      %mul3A_304 = arith.mulf %sub3A, %mul3A_303 : vector<16xf32>
      %mul3A_305 = arith.constant 16 : i32
      %mul3A_306 = arith.muli %scan3A_235, %mul3A_305 : i32
      %add3A_307 = arith.constant 0 : i32
      %add3A_308 = arith.addi %add3A_307, %mul3A_306 : i32
      %mul3A_309 = arith.constant 4.000000e+00 : f32
      %mul3A_310 = vector.broadcast %mul3A_309 : f32 to vector<16xf32>
      %mul3A_311 = arith.mulf %mul3A_304, %mul3A_310 : vector<16xf32>
      %add3A_312 = arith.constant 1.000000e+00 : f32
      %add3A_313 = vector.broadcast %add3A_312 : f32 to vector<16xf32>
      %add3A_314 = arith.addf %mul3A_311, %add3A_313 : vector<16xf32>
      %swap3A_315 = arith.index_cast %add3A_308 : i32 to index
      %swap3A_316 = tpu.vector_load %arg13[%swap3A_315] {strides = array<i32>} : memref<512xf32, #tpu.memory_space<vmem>>, vector<16xf32>,
      tpu.vector_store %arg13[%swap3A_315], %add3A_314 {strides = array<i32>} : memref<512xf32, #tpu.memory_space<vmem>>, vector<16xf32>,
      %get3A = arith.index_cast %add3A_308 : i32 to index
      %get3A_317 = tpu.vector_load %arg12[%get3A] {strides = array<i32>} : memref<512xf32, #tpu.memory_space<vmem>>, vector<16xf32>,
      %sub3A_318 = arith.constant 1.000000e+00 : f32
      %sub3A_319 = vector.broadcast %sub3A_318 : f32 to vector<16xf32>
      %sub3A_320 = arith.subf %get3A_317, %sub3A_319 : vector<16xf32>
      %mul3A_321 = vector.broadcast %scan3A_89 : f32 to vector<16xf32>
      %mul3A_322 = arith.mulf %sub3A_320, %mul3A_321 : vector<16xf32>
      %sub3A_323 = arith.subf %mul3A_304, %mul3A_322 : vector<16xf32>
      %mul3A_324 = arith.mulf %sub3A_323, %sub3A_323 : vector<16xf32>
      %add3A_325 = arith.addf %scan3A_236, %mul3A_324 : vector<16xf32>
      scf.yield %add3A_325 : vector<16xf32>
    }
    %scan3A_95 = arith.constant 8 : i32
    %dma_start3A_96 = arith.constant 2 : i32
    %dma_start3A_97 = arith.constant 0 : i32
    %dma_start3A_98 = arith.constant 0 : i32
    %dma_start3A_99 = tpu.memref_slice %arg10[%dma_start3A_97, %dma_start3A_98] : memref<256x128xf32, #tpu.memory_space<vmem>> -> memref<128x128xf32, #tpu.memory_space<vmem>>
    %dma_start3A_100 = arith.constant 0 : i32
    %dma_start3A_101 = tpu.memref_slice %arg8[%dma_start3A_96, %dma_start3A_100] : memref<4x128xi32, #tpu.memory_space<vmem>> -> memref<1x128xi32, #tpu.memory_space<vmem>>
    %dma_start3A_102 = tpu.memref_squeeze %dma_start3A_101 : memref<1x128xi32, #tpu.memory_space<vmem>> -> memref<128xi32, #tpu.memory_space<vmem>>
    %dma_start3A_103 = arith.constant 0 : i32
    %dma_start3A_104 = arith.constant 0 : i32
    %dma_start3A_105 = tpu.memref_slice %arg5[%dma_start3A_103, %dma_start3A_104] : memref<106496x128xf32, #tpu.memory_space<hbm>> -> memref<106496x128xf32, #tpu.memory_space<hbm>>
    tpu.enqueue_indirect_dma source(%dma_start3A_105 : memref<106496x128xf32, #tpu.memory_space<hbm>>) target(%dma_start3A_99 : memref<128x128xf32, #tpu.memory_space<vmem>>) offsets(%dma_start3A_102 : memref<128xi32, #tpu.memory_space<vmem>>) semaphore(%arg15 : memref<!tpu.dma_semaphore, #tpu.memory_space<semaphore_mem>>)
    %dma_start3A_106 = arith.constant 2 : i32
    %dma_start3A_107 = arith.constant 0 : i32
    %dma_start3A_108 = arith.constant 0 : i32
    %dma_start3A_109 = tpu.memref_slice %arg11[%dma_start3A_107, %dma_start3A_108] : memref<256x128xf32, #tpu.memory_space<vmem>> -> memref<128x128xf32, #tpu.memory_space<vmem>>
    %dma_start3A_110 = arith.constant 0 : i32
    %dma_start3A_111 = tpu.memref_slice %arg9[%dma_start3A_106, %dma_start3A_110] : memref<4x128xi32, #tpu.memory_space<vmem>> -> memref<1x128xi32, #tpu.memory_space<vmem>>
    %dma_start3A_112 = tpu.memref_squeeze %dma_start3A_111 : memref<1x128xi32, #tpu.memory_space<vmem>> -> memref<128xi32, #tpu.memory_space<vmem>>
    %dma_start3A_113 = arith.constant 0 : i32
    %dma_start3A_114 = arith.constant 0 : i32
    %dma_start3A_115 = tpu.memref_slice %arg5[%dma_start3A_113, %dma_start3A_114] : memref<106496x128xf32, #tpu.memory_space<hbm>> -> memref<106496x128xf32, #tpu.memory_space<hbm>>
    tpu.enqueue_indirect_dma source(%dma_start3A_115 : memref<106496x128xf32, #tpu.memory_space<hbm>>) target(%dma_start3A_109 : memref<128x128xf32, #tpu.memory_space<vmem>>) offsets(%dma_start3A_112 : memref<128xi32, #tpu.memory_space<vmem>>) semaphore(%arg15 : memref<!tpu.dma_semaphore, #tpu.memory_space<semaphore_mem>>)
    %dma_wait3A_116 = arith.constant 128 : i32
    %dma_wait3A_117 = arith.constant 0 : i32
    %dma_wait3A_118 = tpu.memref_slice %arg10[%dma_wait3A_116, %dma_wait3A_117] : memref<256x128xf32, #tpu.memory_space<vmem>> -> memref<128x128xf32, #tpu.memory_space<vmem>>
    %dma_wait3A_119 = arith.constant 0 : i32
    %dma_wait3A_120 = arith.constant 0 : i32
    %dma_wait3A_121 = tpu.memref_slice %arg5[%dma_wait3A_119, %dma_wait3A_120] : memref<106496x128xf32, #tpu.memory_space<hbm>> -> memref<128x128xf32, #tpu.memory_space<hbm>>
    %dma_wait3A_122 = arith.constant 128 : i32
    %dma_wait3A_123 = arith.constant 0 : i32
    %dma_wait3A_124 = tpu.memref_slice %arg10[%dma_wait3A_122, %dma_wait3A_123] : memref<256x128xf32, #tpu.memory_space<vmem>> -> memref<128x128xf32, #tpu.memory_space<vmem>>
    %dma_wait3A_125 = arith.constant 0 : i32
    %dma_wait3A_126 = arith.constant 0 : i32
    %dma_wait3A_127 = tpu.memref_slice %arg5[%dma_wait3A_125, %dma_wait3A_126] : memref<106496x128xf32, #tpu.memory_space<hbm>> -> memref<128x128xf32, #tpu.memory_space<hbm>>
    tpu.wait_dma2 semaphore(%arg16 : memref<!tpu.dma_semaphore, #tpu.memory_space<semaphore_mem>>) src(%dma_wait3A_127 : memref<128x128xf32, #tpu.memory_space<hbm>>) dst(%dma_wait3A_124 : memref<128x128xf32, #tpu.memory_space<vmem>>)
    %dma_wait3A_128 = arith.constant 128 : i32
    %dma_wait3A_129 = arith.constant 0 : i32
    %dma_wait3A_130 = tpu.memref_slice %arg11[%dma_wait3A_128, %dma_wait3A_129] : memref<256x128xf32, #tpu.memory_space<vmem>> -> memref<128x128xf32, #tpu.memory_space<vmem>>
    %dma_wait3A_131 = arith.constant 0 : i32
    %dma_wait3A_132 = arith.constant 0 : i32
    %dma_wait3A_133 = tpu.memref_slice %arg5[%dma_wait3A_131, %dma_wait3A_132] : memref<106496x128xf32, #tpu.memory_space<hbm>> -> memref<128x128xf32, #tpu.memory_space<hbm>>
    %dma_wait3A_134 = arith.constant 128 : i32
    %dma_wait3A_135 = arith.constant 0 : i32
    %dma_wait3A_136 = tpu.memref_slice %arg11[%dma_wait3A_134, %dma_wait3A_135] : memref<256x128xf32, #tpu.memory_space<vmem>> -> memref<128x128xf32, #tpu.memory_space<vmem>>
    %dma_wait3A_137 = arith.constant 0 : i32
    %dma_wait3A_138 = arith.constant 0 : i32
    %dma_wait3A_139 = tpu.memref_slice %arg5[%dma_wait3A_137, %dma_wait3A_138] : memref<106496x128xf32, #tpu.memory_space<hbm>> -> memref<128x128xf32, #tpu.memory_space<hbm>>
    tpu.wait_dma2 semaphore(%arg16 : memref<!tpu.dma_semaphore, #tpu.memory_space<semaphore_mem>>) src(%dma_wait3A_139 : memref<128x128xf32, #tpu.memory_space<hbm>>) dst(%dma_wait3A_136 : memref<128x128xf32, #tpu.memory_space<vmem>>)
    %scan3A_140 = arith.constant 1.562500e-02 : f32
    %scan3A_141 = arith.constant 2.500000e-01 : f32
    %scan3A_142 = arith.constant 0 : i32
    %scan3A_143 = arith.constant 8 : i32
    %scan3A_144 = arith.addi %scan3A_142, %scan3A_143 : i32
    %scan3A_145 = arith.constant 1 : i32
    %scan3A_146 = scf.for %scan3A_235 = %scan3A_142 to %scan3A_144 step %scan3A_145 iter_args(%scan3A_236 = %scan3A_94) -> (vector<16xf32>)  : i32 {
      %mul3A_237 = arith.constant 16 : i32
      %mul3A_238 = arith.muli %scan3A_235, %mul3A_237 : i32
      %add3A_239 = arith.constant 128 : i32
      %add3A_240 = arith.addi %add3A_239, %mul3A_238 : i32
      %add3A_241 = vector.broadcast %add3A_240 : i32 to vector<16xi32>
      %add3A_242 = arith.addi %add3A_241, %iota3A : vector<16xi32>
      %broadcast_in_dim3A_243 = arith.constant 0.000000e+00 : f32
      %broadcast_in_dim3A_244 = vector.broadcast %broadcast_in_dim3A_243 : f32 to vector<16xf32>
      %scan3A_245 = arith.constant 0 : i32
      %scan3A_246 = arith.constant 8 : i32
      %scan3A_247 = arith.addi %scan3A_245, %scan3A_246 : i32
      %scan3A_248 = arith.constant 1 : i32
      %scan3A_249:5 = scf.for %scan3A_326 = %scan3A_245 to %scan3A_247 step %scan3A_248 iter_args(%scan3A_327 = %broadcast_in_dim3A_244, %scan3A_328 = %broadcast_in_dim3A_244, %scan3A_329 = %broadcast_in_dim3A_244, %scan3A_330 = %broadcast_in_dim3A_244, %scan3A_331 = %broadcast_in_dim3A_244) -> (vector<16xf32>, vector<16xf32>, vector<16xf32>, vector<16xf32>, vector<16xf32>)  : i32 {
        %mul3A_332 = arith.constant 8 : i32
        %mul3A_333 = arith.muli %scan3A_326, %mul3A_332 : i32
        %add3A_334 = arith.constant 0 : i32
        %add3A_335 = arith.addi %mul3A_333, %add3A_334 : i32
        %add3A_336 = vector.broadcast %add3A_335 : i32 to vector<16xi32>
        %add3A_337 = arith.addi %iota3A, %add3A_336 : vector<16xi32>
        %and3A = arith.constant 63 : i32
        %and3A_338 = vector.broadcast %and3A : i32 to vector<16xi32>
        %and3A_339 = arith.andi %add3A_337, %and3A_338 : vector<16xi32>
        %gather3A = tpu.vector_load_idx %arg10[%add3A_242, %and3A_339] : memref<256x128xf32, #tpu.memory_space<vmem>>[vector<16xi32>, vector<16xi32>], vector<16xf32>,
        %add3A_340 = arith.constant 64 : i32
        %add3A_341 = vector.broadcast %add3A_340 : i32 to vector<16xi32>
        %add3A_342 = arith.addi %and3A_339, %add3A_341 : vector<16xi32>
        %gather3A_343 = tpu.vector_load_idx %arg11[%add3A_242, %add3A_342] : memref<256x128xf32, #tpu.memory_space<vmem>>[vector<16xi32>, vector<16xi32>], vector<16xf32>,
        %add3A_344 = arith.addf %scan3A_327, %gather3A : vector<16xf32>
        %add3A_345 = arith.addf %scan3A_328, %gather3A_343 : vector<16xf32>
        %mul3A_346 = arith.mulf %gather3A, %gather3A : vector<16xf32>
        %add3A_347 = arith.addf %scan3A_329, %mul3A_346 : vector<16xf32>
        %mul3A_348 = arith.mulf %gather3A_343, %gather3A_343 : vector<16xf32>
        %add3A_349 = arith.addf %scan3A_330, %mul3A_348 : vector<16xf32>
        %mul3A_350 = arith.mulf %gather3A, %gather3A_343 : vector<16xf32>
        %add3A_351 = arith.addf %scan3A_331, %mul3A_350 : vector<16xf32>
        %mul3A_352 = arith.constant 8 : i32
        %mul3A_353 = arith.muli %scan3A_326, %mul3A_352 : i32
        %add3A_354 = arith.constant 1 : i32
        %add3A_355 = arith.addi %mul3A_353, %add3A_354 : i32
        %add3A_356 = vector.broadcast %add3A_355 : i32 to vector<16xi32>
        %add3A_357 = arith.addi %iota3A, %add3A_356 : vector<16xi32>
        %and3A_358 = arith.constant 63 : i32
        %and3A_359 = vector.broadcast %and3A_358 : i32 to vector<16xi32>
        %and3A_360 = arith.andi %add3A_357, %and3A_359 : vector<16xi32>
        %gather3A_361 = tpu.vector_load_idx %arg10[%add3A_242, %and3A_360] : memref<256x128xf32, #tpu.memory_space<vmem>>[vector<16xi32>, vector<16xi32>], vector<16xf32>,
        %add3A_362 = arith.constant 64 : i32
        %add3A_363 = vector.broadcast %add3A_362 : i32 to vector<16xi32>
        %add3A_364 = arith.addi %and3A_360, %add3A_363 : vector<16xi32>
        %gather3A_365 = tpu.vector_load_idx %arg11[%add3A_242, %add3A_364] : memref<256x128xf32, #tpu.memory_space<vmem>>[vector<16xi32>, vector<16xi32>], vector<16xf32>,
        %add3A_366 = arith.addf %add3A_344, %gather3A_361 : vector<16xf32>
        %add3A_367 = arith.addf %add3A_345, %gather3A_365 : vector<16xf32>
        %mul3A_368 = arith.mulf %gather3A_361, %gather3A_361 : vector<16xf32>
        %add3A_369 = arith.addf %add3A_347, %mul3A_368 : vector<16xf32>
        %mul3A_370 = arith.mulf %gather3A_365, %gather3A_365 : vector<16xf32>
        %add3A_371 = arith.addf %add3A_349, %mul3A_370 : vector<16xf32>
        %mul3A_372 = arith.mulf %gather3A_361, %gather3A_365 : vector<16xf32>
        %add3A_373 = arith.addf %add3A_351, %mul3A_372 : vector<16xf32>
        %mul3A_374 = arith.constant 8 : i32
        %mul3A_375 = arith.muli %scan3A_326, %mul3A_374 : i32
        %add3A_376 = arith.constant 2 : i32
        %add3A_377 = arith.addi %mul3A_375, %add3A_376 : i32
        %add3A_378 = vector.broadcast %add3A_377 : i32 to vector<16xi32>
        %add3A_379 = arith.addi %iota3A, %add3A_378 : vector<16xi32>
        %and3A_380 = arith.constant 63 : i32
        %and3A_381 = vector.broadcast %and3A_380 : i32 to vector<16xi32>
        %and3A_382 = arith.andi %add3A_379, %and3A_381 : vector<16xi32>
        %gather3A_383 = tpu.vector_load_idx %arg10[%add3A_242, %and3A_382] : memref<256x128xf32, #tpu.memory_space<vmem>>[vector<16xi32>, vector<16xi32>], vector<16xf32>,
        %add3A_384 = arith.constant 64 : i32
        %add3A_385 = vector.broadcast %add3A_384 : i32 to vector<16xi32>
        %add3A_386 = arith.addi %and3A_382, %add3A_385 : vector<16xi32>
        %gather3A_387 = tpu.vector_load_idx %arg11[%add3A_242, %add3A_386] : memref<256x128xf32, #tpu.memory_space<vmem>>[vector<16xi32>, vector<16xi32>], vector<16xf32>,
        %add3A_388 = arith.addf %add3A_366, %gather3A_383 : vector<16xf32>
        %add3A_389 = arith.addf %add3A_367, %gather3A_387 : vector<16xf32>
        %mul3A_390 = arith.mulf %gather3A_383, %gather3A_383 : vector<16xf32>
        %add3A_391 = arith.addf %add3A_369, %mul3A_390 : vector<16xf32>
        %mul3A_392 = arith.mulf %gather3A_387, %gather3A_387 : vector<16xf32>
        %add3A_393 = arith.addf %add3A_371, %mul3A_392 : vector<16xf32>
        %mul3A_394 = arith.mulf %gather3A_383, %gather3A_387 : vector<16xf32>
        %add3A_395 = arith.addf %add3A_373, %mul3A_394 : vector<16xf32>
        %mul3A_396 = arith.constant 8 : i32
        %mul3A_397 = arith.muli %scan3A_326, %mul3A_396 : i32
        %add3A_398 = arith.constant 3 : i32
        %add3A_399 = arith.addi %mul3A_397, %add3A_398 : i32
        %add3A_400 = vector.broadcast %add3A_399 : i32 to vector<16xi32>
        %add3A_401 = arith.addi %iota3A, %add3A_400 : vector<16xi32>
        %and3A_402 = arith.constant 63 : i32
        %and3A_403 = vector.broadcast %and3A_402 : i32 to vector<16xi32>
        %and3A_404 = arith.andi %add3A_401, %and3A_403 : vector<16xi32>
        %gather3A_405 = tpu.vector_load_idx %arg10[%add3A_242, %and3A_404] : memref<256x128xf32, #tpu.memory_space<vmem>>[vector<16xi32>, vector<16xi32>], vector<16xf32>,
        %add3A_406 = arith.constant 64 : i32
        %add3A_407 = vector.broadcast %add3A_406 : i32 to vector<16xi32>
        %add3A_408 = arith.addi %and3A_404, %add3A_407 : vector<16xi32>
        %gather3A_409 = tpu.vector_load_idx %arg11[%add3A_242, %add3A_408] : memref<256x128xf32, #tpu.memory_space<vmem>>[vector<16xi32>, vector<16xi32>], vector<16xf32>,
        %add3A_410 = arith.addf %add3A_388, %gather3A_405 : vector<16xf32>
        %add3A_411 = arith.addf %add3A_389, %gather3A_409 : vector<16xf32>
        %mul3A_412 = arith.mulf %gather3A_405, %gather3A_405 : vector<16xf32>
        %add3A_413 = arith.addf %add3A_391, %mul3A_412 : vector<16xf32>
        %mul3A_414 = arith.mulf %gather3A_409, %gather3A_409 : vector<16xf32>
        %add3A_415 = arith.addf %add3A_393, %mul3A_414 : vector<16xf32>
        %mul3A_416 = arith.mulf %gather3A_405, %gather3A_409 : vector<16xf32>
        %add3A_417 = arith.addf %add3A_395, %mul3A_416 : vector<16xf32>
        %mul3A_418 = arith.constant 8 : i32
        %mul3A_419 = arith.muli %scan3A_326, %mul3A_418 : i32
        %add3A_420 = arith.constant 4 : i32
        %add3A_421 = arith.addi %mul3A_419, %add3A_420 : i32
        %add3A_422 = vector.broadcast %add3A_421 : i32 to vector<16xi32>
        %add3A_423 = arith.addi %iota3A, %add3A_422 : vector<16xi32>
        %and3A_424 = arith.constant 63 : i32
        %and3A_425 = vector.broadcast %and3A_424 : i32 to vector<16xi32>
        %and3A_426 = arith.andi %add3A_423, %and3A_425 : vector<16xi32>
        %gather3A_427 = tpu.vector_load_idx %arg10[%add3A_242, %and3A_426] : memref<256x128xf32, #tpu.memory_space<vmem>>[vector<16xi32>, vector<16xi32>], vector<16xf32>,
        %add3A_428 = arith.constant 64 : i32
        %add3A_429 = vector.broadcast %add3A_428 : i32 to vector<16xi32>
        %add3A_430 = arith.addi %and3A_426, %add3A_429 : vector<16xi32>
        %gather3A_431 = tpu.vector_load_idx %arg11[%add3A_242, %add3A_430] : memref<256x128xf32, #tpu.memory_space<vmem>>[vector<16xi32>, vector<16xi32>], vector<16xf32>,
        %add3A_432 = arith.addf %add3A_410, %gather3A_427 : vector<16xf32>
        %add3A_433 = arith.addf %add3A_411, %gather3A_431 : vector<16xf32>
        %mul3A_434 = arith.mulf %gather3A_427, %gather3A_427 : vector<16xf32>
        %add3A_435 = arith.addf %add3A_413, %mul3A_434 : vector<16xf32>
        %mul3A_436 = arith.mulf %gather3A_431, %gather3A_431 : vector<16xf32>
        %add3A_437 = arith.addf %add3A_415, %mul3A_436 : vector<16xf32>
        %mul3A_438 = arith.mulf %gather3A_427, %gather3A_431 : vector<16xf32>
        %add3A_439 = arith.addf %add3A_417, %mul3A_438 : vector<16xf32>
        %mul3A_440 = arith.constant 8 : i32
        %mul3A_441 = arith.muli %scan3A_326, %mul3A_440 : i32
        %add3A_442 = arith.constant 5 : i32
        %add3A_443 = arith.addi %mul3A_441, %add3A_442 : i32
        %add3A_444 = vector.broadcast %add3A_443 : i32 to vector<16xi32>
        %add3A_445 = arith.addi %iota3A, %add3A_444 : vector<16xi32>
        %and3A_446 = arith.constant 63 : i32
        %and3A_447 = vector.broadcast %and3A_446 : i32 to vector<16xi32>
        %and3A_448 = arith.andi %add3A_445, %and3A_447 : vector<16xi32>
        %gather3A_449 = tpu.vector_load_idx %arg10[%add3A_242, %and3A_448] : memref<256x128xf32, #tpu.memory_space<vmem>>[vector<16xi32>, vector<16xi32>], vector<16xf32>,
        %add3A_450 = arith.constant 64 : i32
        %add3A_451 = vector.broadcast %add3A_450 : i32 to vector<16xi32>
        %add3A_452 = arith.addi %and3A_448, %add3A_451 : vector<16xi32>
        %gather3A_453 = tpu.vector_load_idx %arg11[%add3A_242, %add3A_452] : memref<256x128xf32, #tpu.memory_space<vmem>>[vector<16xi32>, vector<16xi32>], vector<16xf32>,
        %add3A_454 = arith.addf %add3A_432, %gather3A_449 : vector<16xf32>
        %add3A_455 = arith.addf %add3A_433, %gather3A_453 : vector<16xf32>
        %mul3A_456 = arith.mulf %gather3A_449, %gather3A_449 : vector<16xf32>
        %add3A_457 = arith.addf %add3A_435, %mul3A_456 : vector<16xf32>
        %mul3A_458 = arith.mulf %gather3A_453, %gather3A_453 : vector<16xf32>
        %add3A_459 = arith.addf %add3A_437, %mul3A_458 : vector<16xf32>
        %mul3A_460 = arith.mulf %gather3A_449, %gather3A_453 : vector<16xf32>
        %add3A_461 = arith.addf %add3A_439, %mul3A_460 : vector<16xf32>
        %mul3A_462 = arith.constant 8 : i32
        %mul3A_463 = arith.muli %scan3A_326, %mul3A_462 : i32
        %add3A_464 = arith.constant 6 : i32
        %add3A_465 = arith.addi %mul3A_463, %add3A_464 : i32
        %add3A_466 = vector.broadcast %add3A_465 : i32 to vector<16xi32>
        %add3A_467 = arith.addi %iota3A, %add3A_466 : vector<16xi32>
        %and3A_468 = arith.constant 63 : i32
        %and3A_469 = vector.broadcast %and3A_468 : i32 to vector<16xi32>
        %and3A_470 = arith.andi %add3A_467, %and3A_469 : vector<16xi32>
        %gather3A_471 = tpu.vector_load_idx %arg10[%add3A_242, %and3A_470] : memref<256x128xf32, #tpu.memory_space<vmem>>[vector<16xi32>, vector<16xi32>], vector<16xf32>,
        %add3A_472 = arith.constant 64 : i32
        %add3A_473 = vector.broadcast %add3A_472 : i32 to vector<16xi32>
        %add3A_474 = arith.addi %and3A_470, %add3A_473 : vector<16xi32>
        %gather3A_475 = tpu.vector_load_idx %arg11[%add3A_242, %add3A_474] : memref<256x128xf32, #tpu.memory_space<vmem>>[vector<16xi32>, vector<16xi32>], vector<16xf32>,
        %add3A_476 = arith.addf %add3A_454, %gather3A_471 : vector<16xf32>
        %add3A_477 = arith.addf %add3A_455, %gather3A_475 : vector<16xf32>
        %mul3A_478 = arith.mulf %gather3A_471, %gather3A_471 : vector<16xf32>
        %add3A_479 = arith.addf %add3A_457, %mul3A_478 : vector<16xf32>
        %mul3A_480 = arith.mulf %gather3A_475, %gather3A_475 : vector<16xf32>
        %add3A_481 = arith.addf %add3A_459, %mul3A_480 : vector<16xf32>
        %mul3A_482 = arith.mulf %gather3A_471, %gather3A_475 : vector<16xf32>
        %add3A_483 = arith.addf %add3A_461, %mul3A_482 : vector<16xf32>
        %mul3A_484 = arith.constant 8 : i32
        %mul3A_485 = arith.muli %scan3A_326, %mul3A_484 : i32
        %add3A_486 = arith.constant 7 : i32
        %add3A_487 = arith.addi %mul3A_485, %add3A_486 : i32
        %add3A_488 = vector.broadcast %add3A_487 : i32 to vector<16xi32>
        %add3A_489 = arith.addi %iota3A, %add3A_488 : vector<16xi32>
        %and3A_490 = arith.constant 63 : i32
        %and3A_491 = vector.broadcast %and3A_490 : i32 to vector<16xi32>
        %and3A_492 = arith.andi %add3A_489, %and3A_491 : vector<16xi32>
        %gather3A_493 = tpu.vector_load_idx %arg10[%add3A_242, %and3A_492] : memref<256x128xf32, #tpu.memory_space<vmem>>[vector<16xi32>, vector<16xi32>], vector<16xf32>,
        %add3A_494 = arith.constant 64 : i32
        %add3A_495 = vector.broadcast %add3A_494 : i32 to vector<16xi32>
        %add3A_496 = arith.addi %and3A_492, %add3A_495 : vector<16xi32>
        %gather3A_497 = tpu.vector_load_idx %arg11[%add3A_242, %add3A_496] : memref<256x128xf32, #tpu.memory_space<vmem>>[vector<16xi32>, vector<16xi32>], vector<16xf32>,
        %add3A_498 = arith.addf %add3A_476, %gather3A_493 : vector<16xf32>
        %add3A_499 = arith.addf %add3A_477, %gather3A_497 : vector<16xf32>
        %mul3A_500 = arith.mulf %gather3A_493, %gather3A_493 : vector<16xf32>
        %add3A_501 = arith.addf %add3A_479, %mul3A_500 : vector<16xf32>
        %mul3A_502 = arith.mulf %gather3A_497, %gather3A_497 : vector<16xf32>
        %add3A_503 = arith.addf %add3A_481, %mul3A_502 : vector<16xf32>
        %mul3A_504 = arith.mulf %gather3A_493, %gather3A_497 : vector<16xf32>
        %add3A_505 = arith.addf %add3A_483, %mul3A_504 : vector<16xf32>
        scf.yield %add3A_498, %add3A_499, %add3A_501, %add3A_503, %add3A_505 : vector<16xf32>, vector<16xf32>, vector<16xf32>, vector<16xf32>, vector<16xf32>
      }
      %scan3A_250 = arith.constant 8 : i32
      %mul3A_251 = arith.mulf %scan3A_249#0, %scan3A_249#1 : vector<16xf32>
      %mul3A_252 = vector.broadcast %scan3A_140 : f32 to vector<16xf32>
      %mul3A_253 = arith.mulf %mul3A_251, %mul3A_252 : vector<16xf32>
      %sub3A = arith.subf %scan3A_249#4, %mul3A_253 : vector<16xf32>
      %mul3A_254 = arith.mulf %scan3A_249#0, %scan3A_249#0 : vector<16xf32>
      %mul3A_255 = vector.broadcast %scan3A_140 : f32 to vector<16xf32>
      %mul3A_256 = arith.mulf %mul3A_254, %mul3A_255 : vector<16xf32>
      %sub3A_257 = arith.subf %scan3A_249#2, %mul3A_256 : vector<16xf32>
      %max3A = arith.constant 1.000000e-24 : f32
      %max3A_258 = vector.broadcast %max3A : f32 to vector<16xf32>
      %max3A_259 = arith.maximumf %sub3A_257, %max3A_258 : vector<16xf32>
      %mul3A_260 = arith.mulf %scan3A_249#1, %scan3A_249#1 : vector<16xf32>
      %mul3A_261 = vector.broadcast %scan3A_140 : f32 to vector<16xf32>
      %mul3A_262 = arith.mulf %mul3A_260, %mul3A_261 : vector<16xf32>
      %sub3A_263 = arith.subf %scan3A_249#3, %mul3A_262 : vector<16xf32>
      %max3A_264 = arith.constant 1.000000e-24 : f32
      %max3A_265 = vector.broadcast %max3A_264 : f32 to vector<16xf32>
      %max3A_266 = arith.maximumf %sub3A_263, %max3A_265 : vector<16xf32>
      %mul3A_267 = arith.mulf %max3A_259, %max3A_266 : vector<16xf32>
      %max3A_268 = arith.constant 1.000000e-30 : f32
      %max3A_269 = vector.broadcast %max3A_268 : f32 to vector<16xf32>
      %max3A_270 = arith.maximumf %mul3A_267, %max3A_269 : vector<16xf32>
      %bitcast3A = vector.bitcast %max3A_270 : vector<16xf32> to vector<16xi32>
      %shift_right_arithmetic3A = arith.constant 1 : i32
      %shift_right_arithmetic3A_271 = vector.broadcast %shift_right_arithmetic3A : i32 to vector<16xi32>
      %shift_right_arithmetic3A_272 = arith.shrsi %bitcast3A, %shift_right_arithmetic3A_271 : vector<16xi32>
      %sub3A_273 = arith.constant 1597463007 : i32
      %sub3A_274 = vector.broadcast %sub3A_273 : i32 to vector<16xi32>
      %sub3A_275 = arith.subi %sub3A_274, %shift_right_arithmetic3A_272 : vector<16xi32>
      %bitcast3A_276 = vector.bitcast %sub3A_275 : vector<16xi32> to vector<16xf32>
      %mul3A_277 = arith.constant 5.000000e-01 : f32
      %mul3A_278 = vector.broadcast %mul3A_277 : f32 to vector<16xf32>
      %mul3A_279 = arith.mulf %mul3A_278, %max3A_270 : vector<16xf32>
      %mul3A_280 = arith.mulf %mul3A_279, %bitcast3A_276 : vector<16xf32>
      %mul3A_281 = arith.mulf %mul3A_280, %bitcast3A_276 : vector<16xf32>
      %sub3A_282 = arith.constant 1.500000e+00 : f32
      %sub3A_283 = vector.broadcast %sub3A_282 : f32 to vector<16xf32>
      %sub3A_284 = arith.subf %sub3A_283, %mul3A_281 : vector<16xf32>
      %mul3A_285 = arith.mulf %bitcast3A_276, %sub3A_284 : vector<16xf32>
      %mul3A_286 = arith.constant 5.000000e-01 : f32
      %mul3A_287 = vector.broadcast %mul3A_286 : f32 to vector<16xf32>
      %mul3A_288 = arith.mulf %mul3A_287, %max3A_270 : vector<16xf32>
      %mul3A_289 = arith.mulf %mul3A_288, %mul3A_285 : vector<16xf32>
      %mul3A_290 = arith.mulf %mul3A_289, %mul3A_285 : vector<16xf32>
      %sub3A_291 = arith.constant 1.500000e+00 : f32
      %sub3A_292 = vector.broadcast %sub3A_291 : f32 to vector<16xf32>
      %sub3A_293 = arith.subf %sub3A_292, %mul3A_290 : vector<16xf32>
      %mul3A_294 = arith.mulf %mul3A_285, %sub3A_293 : vector<16xf32>
      %mul3A_295 = arith.constant 5.000000e-01 : f32
      %mul3A_296 = vector.broadcast %mul3A_295 : f32 to vector<16xf32>
      %mul3A_297 = arith.mulf %mul3A_296, %max3A_270 : vector<16xf32>
      %mul3A_298 = arith.mulf %mul3A_297, %mul3A_294 : vector<16xf32>
      %mul3A_299 = arith.mulf %mul3A_298, %mul3A_294 : vector<16xf32>
      %sub3A_300 = arith.constant 1.500000e+00 : f32
      %sub3A_301 = vector.broadcast %sub3A_300 : f32 to vector<16xf32>
      %sub3A_302 = arith.subf %sub3A_301, %mul3A_299 : vector<16xf32>
      %mul3A_303 = arith.mulf %mul3A_294, %sub3A_302 : vector<16xf32>
      %mul3A_304 = arith.mulf %sub3A, %mul3A_303 : vector<16xf32>
      %mul3A_305 = arith.constant 16 : i32
      %mul3A_306 = arith.muli %scan3A_235, %mul3A_305 : i32
      %add3A_307 = arith.constant 128 : i32
      %add3A_308 = arith.addi %add3A_307, %mul3A_306 : i32
      %mul3A_309 = arith.constant 4.000000e+00 : f32
      %mul3A_310 = vector.broadcast %mul3A_309 : f32 to vector<16xf32>
      %mul3A_311 = arith.mulf %mul3A_304, %mul3A_310 : vector<16xf32>
      %add3A_312 = arith.constant 1.000000e+00 : f32
      %add3A_313 = vector.broadcast %add3A_312 : f32 to vector<16xf32>
      %add3A_314 = arith.addf %mul3A_311, %add3A_313 : vector<16xf32>
      %swap3A_315 = arith.index_cast %add3A_308 : i32 to index
      %swap3A_316 = tpu.vector_load %arg13[%swap3A_315] {strides = array<i32>} : memref<512xf32, #tpu.memory_space<vmem>>, vector<16xf32>,
      tpu.vector_store %arg13[%swap3A_315], %add3A_314 {strides = array<i32>} : memref<512xf32, #tpu.memory_space<vmem>>, vector<16xf32>,
      %get3A = arith.index_cast %add3A_308 : i32 to index
      %get3A_317 = tpu.vector_load %arg12[%get3A] {strides = array<i32>} : memref<512xf32, #tpu.memory_space<vmem>>, vector<16xf32>,
      %sub3A_318 = arith.constant 1.000000e+00 : f32
      %sub3A_319 = vector.broadcast %sub3A_318 : f32 to vector<16xf32>
      %sub3A_320 = arith.subf %get3A_317, %sub3A_319 : vector<16xf32>
      %mul3A_321 = vector.broadcast %scan3A_141 : f32 to vector<16xf32>
      %mul3A_322 = arith.mulf %sub3A_320, %mul3A_321 : vector<16xf32>
      %sub3A_323 = arith.subf %mul3A_304, %mul3A_322 : vector<16xf32>
      %mul3A_324 = arith.mulf %sub3A_323, %sub3A_323 : vector<16xf32>
      %add3A_325 = arith.addf %scan3A_236, %mul3A_324 : vector<16xf32>
      scf.yield %add3A_325 : vector<16xf32>
    }
    %scan3A_147 = arith.constant 8 : i32
    %dma_start3A_148 = arith.constant 3 : i32
    %dma_start3A_149 = arith.constant 128 : i32
    %dma_start3A_150 = arith.constant 0 : i32
    %dma_start3A_151 = tpu.memref_slice %arg10[%dma_start3A_149, %dma_start3A_150] : memref<256x128xf32, #tpu.memory_space<vmem>> -> memref<128x128xf32, #tpu.memory_space<vmem>>
    %dma_start3A_152 = arith.constant 0 : i32
    %dma_start3A_153 = tpu.memref_slice %arg8[%dma_start3A_148, %dma_start3A_152] : memref<4x128xi32, #tpu.memory_space<vmem>> -> memref<1x128xi32, #tpu.memory_space<vmem>>
    %dma_start3A_154 = tpu.memref_squeeze %dma_start3A_153 : memref<1x128xi32, #tpu.memory_space<vmem>> -> memref<128xi32, #tpu.memory_space<vmem>>
    %dma_start3A_155 = arith.constant 0 : i32
    %dma_start3A_156 = arith.constant 0 : i32
    %dma_start3A_157 = tpu.memref_slice %arg5[%dma_start3A_155, %dma_start3A_156] : memref<106496x128xf32, #tpu.memory_space<hbm>> -> memref<106496x128xf32, #tpu.memory_space<hbm>>
    tpu.enqueue_indirect_dma source(%dma_start3A_157 : memref<106496x128xf32, #tpu.memory_space<hbm>>) target(%dma_start3A_151 : memref<128x128xf32, #tpu.memory_space<vmem>>) offsets(%dma_start3A_154 : memref<128xi32, #tpu.memory_space<vmem>>) semaphore(%arg16 : memref<!tpu.dma_semaphore, #tpu.memory_space<semaphore_mem>>)
    %dma_start3A_158 = arith.constant 3 : i32
    %dma_start3A_159 = arith.constant 128 : i32
    %dma_start3A_160 = arith.constant 0 : i32
    %dma_start3A_161 = tpu.memref_slice %arg11[%dma_start3A_159, %dma_start3A_160] : memref<256x128xf32, #tpu.memory_space<vmem>> -> memref<128x128xf32, #tpu.memory_space<vmem>>
    %dma_start3A_162 = arith.constant 0 : i32
    %dma_start3A_163 = tpu.memref_slice %arg9[%dma_start3A_158, %dma_start3A_162] : memref<4x128xi32, #tpu.memory_space<vmem>> -> memref<1x128xi32, #tpu.memory_space<vmem>>
    %dma_start3A_164 = tpu.memref_squeeze %dma_start3A_163 : memref<1x128xi32, #tpu.memory_space<vmem>> -> memref<128xi32, #tpu.memory_space<vmem>>
    %dma_start3A_165 = arith.constant 0 : i32
    %dma_start3A_166 = arith.constant 0 : i32
    %dma_start3A_167 = tpu.memref_slice %arg5[%dma_start3A_165, %dma_start3A_166] : memref<106496x128xf32, #tpu.memory_space<hbm>> -> memref<106496x128xf32, #tpu.memory_space<hbm>>
    tpu.enqueue_indirect_dma source(%dma_start3A_167 : memref<106496x128xf32, #tpu.memory_space<hbm>>) target(%dma_start3A_161 : memref<128x128xf32, #tpu.memory_space<vmem>>) offsets(%dma_start3A_164 : memref<128xi32, #tpu.memory_space<vmem>>) semaphore(%arg16 : memref<!tpu.dma_semaphore, #tpu.memory_space<semaphore_mem>>)
    %dma_wait3A_168 = arith.constant 0 : i32
    %dma_wait3A_169 = arith.constant 0 : i32
    %dma_wait3A_170 = tpu.memref_slice %arg10[%dma_wait3A_168, %dma_wait3A_169] : memref<256x128xf32, #tpu.memory_space<vmem>> -> memref<128x128xf32, #tpu.memory_space<vmem>>
    %dma_wait3A_171 = arith.constant 0 : i32
    %dma_wait3A_172 = arith.constant 0 : i32
    %dma_wait3A_173 = tpu.memref_slice %arg5[%dma_wait3A_171, %dma_wait3A_172] : memref<106496x128xf32, #tpu.memory_space<hbm>> -> memref<128x128xf32, #tpu.memory_space<hbm>>
    %dma_wait3A_174 = arith.constant 0 : i32
    %dma_wait3A_175 = arith.constant 0 : i32
    %dma_wait3A_176 = tpu.memref_slice %arg10[%dma_wait3A_174, %dma_wait3A_175] : memref<256x128xf32, #tpu.memory_space<vmem>> -> memref<128x128xf32, #tpu.memory_space<vmem>>
    %dma_wait3A_177 = arith.constant 0 : i32
    %dma_wait3A_178 = arith.constant 0 : i32
    %dma_wait3A_179 = tpu.memref_slice %arg5[%dma_wait3A_177, %dma_wait3A_178] : memref<106496x128xf32, #tpu.memory_space<hbm>> -> memref<128x128xf32, #tpu.memory_space<hbm>>
    tpu.wait_dma2 semaphore(%arg15 : memref<!tpu.dma_semaphore, #tpu.memory_space<semaphore_mem>>) src(%dma_wait3A_179 : memref<128x128xf32, #tpu.memory_space<hbm>>) dst(%dma_wait3A_176 : memref<128x128xf32, #tpu.memory_space<vmem>>)
    %dma_wait3A_180 = arith.constant 0 : i32
    %dma_wait3A_181 = arith.constant 0 : i32
    %dma_wait3A_182 = tpu.memref_slice %arg11[%dma_wait3A_180, %dma_wait3A_181] : memref<256x128xf32, #tpu.memory_space<vmem>> -> memref<128x128xf32, #tpu.memory_space<vmem>>
    %dma_wait3A_183 = arith.constant 0 : i32
    %dma_wait3A_184 = arith.constant 0 : i32
    %dma_wait3A_185 = tpu.memref_slice %arg5[%dma_wait3A_183, %dma_wait3A_184] : memref<106496x128xf32, #tpu.memory_space<hbm>> -> memref<128x128xf32, #tpu.memory_space<hbm>>
    %dma_wait3A_186 = arith.constant 0 : i32
    %dma_wait3A_187 = arith.constant 0 : i32
    %dma_wait3A_188 = tpu.memref_slice %arg11[%dma_wait3A_186, %dma_wait3A_187] : memref<256x128xf32, #tpu.memory_space<vmem>> -> memref<128x128xf32, #tpu.memory_space<vmem>>
    %dma_wait3A_189 = arith.constant 0 : i32
    %dma_wait3A_190 = arith.constant 0 : i32
    %dma_wait3A_191 = tpu.memref_slice %arg5[%dma_wait3A_189, %dma_wait3A_190] : memref<106496x128xf32, #tpu.memory_space<hbm>> -> memref<128x128xf32, #tpu.memory_space<hbm>>
    tpu.wait_dma2 semaphore(%arg15 : memref<!tpu.dma_semaphore, #tpu.memory_space<semaphore_mem>>) src(%dma_wait3A_191 : memref<128x128xf32, #tpu.memory_space<hbm>>) dst(%dma_wait3A_188 : memref<128x128xf32, #tpu.memory_space<vmem>>)
    %scan3A_192 = arith.constant 1.562500e-02 : f32
    %scan3A_193 = arith.constant 2.500000e-01 : f32
    %scan3A_194 = arith.constant 0 : i32
    %scan3A_195 = arith.constant 8 : i32
    %scan3A_196 = arith.addi %scan3A_194, %scan3A_195 : i32
    %scan3A_197 = arith.constant 1 : i32
    %scan3A_198 = scf.for %scan3A_235 = %scan3A_194 to %scan3A_196 step %scan3A_197 iter_args(%scan3A_236 = %scan3A_146) -> (vector<16xf32>)  : i32 {
      %mul3A_237 = arith.constant 16 : i32
      %mul3A_238 = arith.muli %scan3A_235, %mul3A_237 : i32
      %add3A_239 = arith.constant 0 : i32
      %add3A_240 = arith.addi %add3A_239, %mul3A_238 : i32
      %add3A_241 = vector.broadcast %add3A_240 : i32 to vector<16xi32>
      %add3A_242 = arith.addi %add3A_241, %iota3A : vector<16xi32>
      %broadcast_in_dim3A_243 = arith.constant 0.000000e+00 : f32
      %broadcast_in_dim3A_244 = vector.broadcast %broadcast_in_dim3A_243 : f32 to vector<16xf32>
      %scan3A_245 = arith.constant 0 : i32
      %scan3A_246 = arith.constant 8 : i32
      %scan3A_247 = arith.addi %scan3A_245, %scan3A_246 : i32
      %scan3A_248 = arith.constant 1 : i32
      %scan3A_249:5 = scf.for %scan3A_326 = %scan3A_245 to %scan3A_247 step %scan3A_248 iter_args(%scan3A_327 = %broadcast_in_dim3A_244, %scan3A_328 = %broadcast_in_dim3A_244, %scan3A_329 = %broadcast_in_dim3A_244, %scan3A_330 = %broadcast_in_dim3A_244, %scan3A_331 = %broadcast_in_dim3A_244) -> (vector<16xf32>, vector<16xf32>, vector<16xf32>, vector<16xf32>, vector<16xf32>)  : i32 {
        %mul3A_332 = arith.constant 8 : i32
        %mul3A_333 = arith.muli %scan3A_326, %mul3A_332 : i32
        %add3A_334 = arith.constant 0 : i32
        %add3A_335 = arith.addi %mul3A_333, %add3A_334 : i32
        %add3A_336 = vector.broadcast %add3A_335 : i32 to vector<16xi32>
        %add3A_337 = arith.addi %iota3A, %add3A_336 : vector<16xi32>
        %and3A = arith.constant 63 : i32
        %and3A_338 = vector.broadcast %and3A : i32 to vector<16xi32>
        %and3A_339 = arith.andi %add3A_337, %and3A_338 : vector<16xi32>
        %gather3A = tpu.vector_load_idx %arg10[%add3A_242, %and3A_339] : memref<256x128xf32, #tpu.memory_space<vmem>>[vector<16xi32>, vector<16xi32>], vector<16xf32>,
        %add3A_340 = arith.constant 64 : i32
        %add3A_341 = vector.broadcast %add3A_340 : i32 to vector<16xi32>
        %add3A_342 = arith.addi %and3A_339, %add3A_341 : vector<16xi32>
        %gather3A_343 = tpu.vector_load_idx %arg11[%add3A_242, %add3A_342] : memref<256x128xf32, #tpu.memory_space<vmem>>[vector<16xi32>, vector<16xi32>], vector<16xf32>,
        %add3A_344 = arith.addf %scan3A_327, %gather3A : vector<16xf32>
        %add3A_345 = arith.addf %scan3A_328, %gather3A_343 : vector<16xf32>
        %mul3A_346 = arith.mulf %gather3A, %gather3A : vector<16xf32>
        %add3A_347 = arith.addf %scan3A_329, %mul3A_346 : vector<16xf32>
        %mul3A_348 = arith.mulf %gather3A_343, %gather3A_343 : vector<16xf32>
        %add3A_349 = arith.addf %scan3A_330, %mul3A_348 : vector<16xf32>
        %mul3A_350 = arith.mulf %gather3A, %gather3A_343 : vector<16xf32>
        %add3A_351 = arith.addf %scan3A_331, %mul3A_350 : vector<16xf32>
        %mul3A_352 = arith.constant 8 : i32
        %mul3A_353 = arith.muli %scan3A_326, %mul3A_352 : i32
        %add3A_354 = arith.constant 1 : i32
        %add3A_355 = arith.addi %mul3A_353, %add3A_354 : i32
        %add3A_356 = vector.broadcast %add3A_355 : i32 to vector<16xi32>
        %add3A_357 = arith.addi %iota3A, %add3A_356 : vector<16xi32>
        %and3A_358 = arith.constant 63 : i32
        %and3A_359 = vector.broadcast %and3A_358 : i32 to vector<16xi32>
        %and3A_360 = arith.andi %add3A_357, %and3A_359 : vector<16xi32>
        %gather3A_361 = tpu.vector_load_idx %arg10[%add3A_242, %and3A_360] : memref<256x128xf32, #tpu.memory_space<vmem>>[vector<16xi32>, vector<16xi32>], vector<16xf32>,
        %add3A_362 = arith.constant 64 : i32
        %add3A_363 = vector.broadcast %add3A_362 : i32 to vector<16xi32>
        %add3A_364 = arith.addi %and3A_360, %add3A_363 : vector<16xi32>
        %gather3A_365 = tpu.vector_load_idx %arg11[%add3A_242, %add3A_364] : memref<256x128xf32, #tpu.memory_space<vmem>>[vector<16xi32>, vector<16xi32>], vector<16xf32>,
        %add3A_366 = arith.addf %add3A_344, %gather3A_361 : vector<16xf32>
        %add3A_367 = arith.addf %add3A_345, %gather3A_365 : vector<16xf32>
        %mul3A_368 = arith.mulf %gather3A_361, %gather3A_361 : vector<16xf32>
        %add3A_369 = arith.addf %add3A_347, %mul3A_368 : vector<16xf32>
        %mul3A_370 = arith.mulf %gather3A_365, %gather3A_365 : vector<16xf32>
        %add3A_371 = arith.addf %add3A_349, %mul3A_370 : vector<16xf32>
        %mul3A_372 = arith.mulf %gather3A_361, %gather3A_365 : vector<16xf32>
        %add3A_373 = arith.addf %add3A_351, %mul3A_372 : vector<16xf32>
        %mul3A_374 = arith.constant 8 : i32
        %mul3A_375 = arith.muli %scan3A_326, %mul3A_374 : i32
        %add3A_376 = arith.constant 2 : i32
        %add3A_377 = arith.addi %mul3A_375, %add3A_376 : i32
        %add3A_378 = vector.broadcast %add3A_377 : i32 to vector<16xi32>
        %add3A_379 = arith.addi %iota3A, %add3A_378 : vector<16xi32>
        %and3A_380 = arith.constant 63 : i32
        %and3A_381 = vector.broadcast %and3A_380 : i32 to vector<16xi32>
        %and3A_382 = arith.andi %add3A_379, %and3A_381 : vector<16xi32>
        %gather3A_383 = tpu.vector_load_idx %arg10[%add3A_242, %and3A_382] : memref<256x128xf32, #tpu.memory_space<vmem>>[vector<16xi32>, vector<16xi32>], vector<16xf32>,
        %add3A_384 = arith.constant 64 : i32
        %add3A_385 = vector.broadcast %add3A_384 : i32 to vector<16xi32>
        %add3A_386 = arith.addi %and3A_382, %add3A_385 : vector<16xi32>
        %gather3A_387 = tpu.vector_load_idx %arg11[%add3A_242, %add3A_386] : memref<256x128xf32, #tpu.memory_space<vmem>>[vector<16xi32>, vector<16xi32>], vector<16xf32>,
        %add3A_388 = arith.addf %add3A_366, %gather3A_383 : vector<16xf32>
        %add3A_389 = arith.addf %add3A_367, %gather3A_387 : vector<16xf32>
        %mul3A_390 = arith.mulf %gather3A_383, %gather3A_383 : vector<16xf32>
        %add3A_391 = arith.addf %add3A_369, %mul3A_390 : vector<16xf32>
        %mul3A_392 = arith.mulf %gather3A_387, %gather3A_387 : vector<16xf32>
        %add3A_393 = arith.addf %add3A_371, %mul3A_392 : vector<16xf32>
        %mul3A_394 = arith.mulf %gather3A_383, %gather3A_387 : vector<16xf32>
        %add3A_395 = arith.addf %add3A_373, %mul3A_394 : vector<16xf32>
        %mul3A_396 = arith.constant 8 : i32
        %mul3A_397 = arith.muli %scan3A_326, %mul3A_396 : i32
        %add3A_398 = arith.constant 3 : i32
        %add3A_399 = arith.addi %mul3A_397, %add3A_398 : i32
        %add3A_400 = vector.broadcast %add3A_399 : i32 to vector<16xi32>
        %add3A_401 = arith.addi %iota3A, %add3A_400 : vector<16xi32>
        %and3A_402 = arith.constant 63 : i32
        %and3A_403 = vector.broadcast %and3A_402 : i32 to vector<16xi32>
        %and3A_404 = arith.andi %add3A_401, %and3A_403 : vector<16xi32>
        %gather3A_405 = tpu.vector_load_idx %arg10[%add3A_242, %and3A_404] : memref<256x128xf32, #tpu.memory_space<vmem>>[vector<16xi32>, vector<16xi32>], vector<16xf32>,
        %add3A_406 = arith.constant 64 : i32
        %add3A_407 = vector.broadcast %add3A_406 : i32 to vector<16xi32>
        %add3A_408 = arith.addi %and3A_404, %add3A_407 : vector<16xi32>
        %gather3A_409 = tpu.vector_load_idx %arg11[%add3A_242, %add3A_408] : memref<256x128xf32, #tpu.memory_space<vmem>>[vector<16xi32>, vector<16xi32>], vector<16xf32>,
        %add3A_410 = arith.addf %add3A_388, %gather3A_405 : vector<16xf32>
        %add3A_411 = arith.addf %add3A_389, %gather3A_409 : vector<16xf32>
        %mul3A_412 = arith.mulf %gather3A_405, %gather3A_405 : vector<16xf32>
        %add3A_413 = arith.addf %add3A_391, %mul3A_412 : vector<16xf32>
        %mul3A_414 = arith.mulf %gather3A_409, %gather3A_409 : vector<16xf32>
        %add3A_415 = arith.addf %add3A_393, %mul3A_414 : vector<16xf32>
        %mul3A_416 = arith.mulf %gather3A_405, %gather3A_409 : vector<16xf32>
        %add3A_417 = arith.addf %add3A_395, %mul3A_416 : vector<16xf32>
        %mul3A_418 = arith.constant 8 : i32
        %mul3A_419 = arith.muli %scan3A_326, %mul3A_418 : i32
        %add3A_420 = arith.constant 4 : i32
        %add3A_421 = arith.addi %mul3A_419, %add3A_420 : i32
        %add3A_422 = vector.broadcast %add3A_421 : i32 to vector<16xi32>
        %add3A_423 = arith.addi %iota3A, %add3A_422 : vector<16xi32>
        %and3A_424 = arith.constant 63 : i32
        %and3A_425 = vector.broadcast %and3A_424 : i32 to vector<16xi32>
        %and3A_426 = arith.andi %add3A_423, %and3A_425 : vector<16xi32>
        %gather3A_427 = tpu.vector_load_idx %arg10[%add3A_242, %and3A_426] : memref<256x128xf32, #tpu.memory_space<vmem>>[vector<16xi32>, vector<16xi32>], vector<16xf32>,
        %add3A_428 = arith.constant 64 : i32
        %add3A_429 = vector.broadcast %add3A_428 : i32 to vector<16xi32>
        %add3A_430 = arith.addi %and3A_426, %add3A_429 : vector<16xi32>
        %gather3A_431 = tpu.vector_load_idx %arg11[%add3A_242, %add3A_430] : memref<256x128xf32, #tpu.memory_space<vmem>>[vector<16xi32>, vector<16xi32>], vector<16xf32>,
        %add3A_432 = arith.addf %add3A_410, %gather3A_427 : vector<16xf32>
        %add3A_433 = arith.addf %add3A_411, %gather3A_431 : vector<16xf32>
        %mul3A_434 = arith.mulf %gather3A_427, %gather3A_427 : vector<16xf32>
        %add3A_435 = arith.addf %add3A_413, %mul3A_434 : vector<16xf32>
        %mul3A_436 = arith.mulf %gather3A_431, %gather3A_431 : vector<16xf32>
        %add3A_437 = arith.addf %add3A_415, %mul3A_436 : vector<16xf32>
        %mul3A_438 = arith.mulf %gather3A_427, %gather3A_431 : vector<16xf32>
        %add3A_439 = arith.addf %add3A_417, %mul3A_438 : vector<16xf32>
        %mul3A_440 = arith.constant 8 : i32
        %mul3A_441 = arith.muli %scan3A_326, %mul3A_440 : i32
        %add3A_442 = arith.constant 5 : i32
        %add3A_443 = arith.addi %mul3A_441, %add3A_442 : i32
        %add3A_444 = vector.broadcast %add3A_443 : i32 to vector<16xi32>
        %add3A_445 = arith.addi %iota3A, %add3A_444 : vector<16xi32>
        %and3A_446 = arith.constant 63 : i32
        %and3A_447 = vector.broadcast %and3A_446 : i32 to vector<16xi32>
        %and3A_448 = arith.andi %add3A_445, %and3A_447 : vector<16xi32>
        %gather3A_449 = tpu.vector_load_idx %arg10[%add3A_242, %and3A_448] : memref<256x128xf32, #tpu.memory_space<vmem>>[vector<16xi32>, vector<16xi32>], vector<16xf32>,
        %add3A_450 = arith.constant 64 : i32
        %add3A_451 = vector.broadcast %add3A_450 : i32 to vector<16xi32>
        %add3A_452 = arith.addi %and3A_448, %add3A_451 : vector<16xi32>
        %gather3A_453 = tpu.vector_load_idx %arg11[%add3A_242, %add3A_452] : memref<256x128xf32, #tpu.memory_space<vmem>>[vector<16xi32>, vector<16xi32>], vector<16xf32>,
        %add3A_454 = arith.addf %add3A_432, %gather3A_449 : vector<16xf32>
        %add3A_455 = arith.addf %add3A_433, %gather3A_453 : vector<16xf32>
        %mul3A_456 = arith.mulf %gather3A_449, %gather3A_449 : vector<16xf32>
        %add3A_457 = arith.addf %add3A_435, %mul3A_456 : vector<16xf32>
        %mul3A_458 = arith.mulf %gather3A_453, %gather3A_453 : vector<16xf32>
        %add3A_459 = arith.addf %add3A_437, %mul3A_458 : vector<16xf32>
        %mul3A_460 = arith.mulf %gather3A_449, %gather3A_453 : vector<16xf32>
        %add3A_461 = arith.addf %add3A_439, %mul3A_460 : vector<16xf32>
        %mul3A_462 = arith.constant 8 : i32
        %mul3A_463 = arith.muli %scan3A_326, %mul3A_462 : i32
        %add3A_464 = arith.constant 6 : i32
        %add3A_465 = arith.addi %mul3A_463, %add3A_464 : i32
        %add3A_466 = vector.broadcast %add3A_465 : i32 to vector<16xi32>
        %add3A_467 = arith.addi %iota3A, %add3A_466 : vector<16xi32>
        %and3A_468 = arith.constant 63 : i32
        %and3A_469 = vector.broadcast %and3A_468 : i32 to vector<16xi32>
        %and3A_470 = arith.andi %add3A_467, %and3A_469 : vector<16xi32>
        %gather3A_471 = tpu.vector_load_idx %arg10[%add3A_242, %and3A_470] : memref<256x128xf32, #tpu.memory_space<vmem>>[vector<16xi32>, vector<16xi32>], vector<16xf32>,
        %add3A_472 = arith.constant 64 : i32
        %add3A_473 = vector.broadcast %add3A_472 : i32 to vector<16xi32>
        %add3A_474 = arith.addi %and3A_470, %add3A_473 : vector<16xi32>
        %gather3A_475 = tpu.vector_load_idx %arg11[%add3A_242, %add3A_474] : memref<256x128xf32, #tpu.memory_space<vmem>>[vector<16xi32>, vector<16xi32>], vector<16xf32>,
        %add3A_476 = arith.addf %add3A_454, %gather3A_471 : vector<16xf32>
        %add3A_477 = arith.addf %add3A_455, %gather3A_475 : vector<16xf32>
        %mul3A_478 = arith.mulf %gather3A_471, %gather3A_471 : vector<16xf32>
        %add3A_479 = arith.addf %add3A_457, %mul3A_478 : vector<16xf32>
        %mul3A_480 = arith.mulf %gather3A_475, %gather3A_475 : vector<16xf32>
        %add3A_481 = arith.addf %add3A_459, %mul3A_480 : vector<16xf32>
        %mul3A_482 = arith.mulf %gather3A_471, %gather3A_475 : vector<16xf32>
        %add3A_483 = arith.addf %add3A_461, %mul3A_482 : vector<16xf32>
        %mul3A_484 = arith.constant 8 : i32
        %mul3A_485 = arith.muli %scan3A_326, %mul3A_484 : i32
        %add3A_486 = arith.constant 7 : i32
        %add3A_487 = arith.addi %mul3A_485, %add3A_486 : i32
        %add3A_488 = vector.broadcast %add3A_487 : i32 to vector<16xi32>
        %add3A_489 = arith.addi %iota3A, %add3A_488 : vector<16xi32>
        %and3A_490 = arith.constant 63 : i32
        %and3A_491 = vector.broadcast %and3A_490 : i32 to vector<16xi32>
        %and3A_492 = arith.andi %add3A_489, %and3A_491 : vector<16xi32>
        %gather3A_493 = tpu.vector_load_idx %arg10[%add3A_242, %and3A_492] : memref<256x128xf32, #tpu.memory_space<vmem>>[vector<16xi32>, vector<16xi32>], vector<16xf32>,
        %add3A_494 = arith.constant 64 : i32
        %add3A_495 = vector.broadcast %add3A_494 : i32 to vector<16xi32>
        %add3A_496 = arith.addi %and3A_492, %add3A_495 : vector<16xi32>
        %gather3A_497 = tpu.vector_load_idx %arg11[%add3A_242, %add3A_496] : memref<256x128xf32, #tpu.memory_space<vmem>>[vector<16xi32>, vector<16xi32>], vector<16xf32>,
        %add3A_498 = arith.addf %add3A_476, %gather3A_493 : vector<16xf32>
        %add3A_499 = arith.addf %add3A_477, %gather3A_497 : vector<16xf32>
        %mul3A_500 = arith.mulf %gather3A_493, %gather3A_493 : vector<16xf32>
        %add3A_501 = arith.addf %add3A_479, %mul3A_500 : vector<16xf32>
        %mul3A_502 = arith.mulf %gather3A_497, %gather3A_497 : vector<16xf32>
        %add3A_503 = arith.addf %add3A_481, %mul3A_502 : vector<16xf32>
        %mul3A_504 = arith.mulf %gather3A_493, %gather3A_497 : vector<16xf32>
        %add3A_505 = arith.addf %add3A_483, %mul3A_504 : vector<16xf32>
        scf.yield %add3A_498, %add3A_499, %add3A_501, %add3A_503, %add3A_505 : vector<16xf32>, vector<16xf32>, vector<16xf32>, vector<16xf32>, vector<16xf32>
      }
      %scan3A_250 = arith.constant 8 : i32
      %mul3A_251 = arith.mulf %scan3A_249#0, %scan3A_249#1 : vector<16xf32>
      %mul3A_252 = vector.broadcast %scan3A_192 : f32 to vector<16xf32>
      %mul3A_253 = arith.mulf %mul3A_251, %mul3A_252 : vector<16xf32>
      %sub3A = arith.subf %scan3A_249#4, %mul3A_253 : vector<16xf32>
      %mul3A_254 = arith.mulf %scan3A_249#0, %scan3A_249#0 : vector<16xf32>
      %mul3A_255 = vector.broadcast %scan3A_192 : f32 to vector<16xf32>
      %mul3A_256 = arith.mulf %mul3A_254, %mul3A_255 : vector<16xf32>
      %sub3A_257 = arith.subf %scan3A_249#2, %mul3A_256 : vector<16xf32>
      %max3A = arith.constant 1.000000e-24 : f32
      %max3A_258 = vector.broadcast %max3A : f32 to vector<16xf32>
      %max3A_259 = arith.maximumf %sub3A_257, %max3A_258 : vector<16xf32>
      %mul3A_260 = arith.mulf %scan3A_249#1, %scan3A_249#1 : vector<16xf32>
      %mul3A_261 = vector.broadcast %scan3A_192 : f32 to vector<16xf32>
      %mul3A_262 = arith.mulf %mul3A_260, %mul3A_261 : vector<16xf32>
      %sub3A_263 = arith.subf %scan3A_249#3, %mul3A_262 : vector<16xf32>
      %max3A_264 = arith.constant 1.000000e-24 : f32
      %max3A_265 = vector.broadcast %max3A_264 : f32 to vector<16xf32>
      %max3A_266 = arith.maximumf %sub3A_263, %max3A_265 : vector<16xf32>
      %mul3A_267 = arith.mulf %max3A_259, %max3A_266 : vector<16xf32>
      %max3A_268 = arith.constant 1.000000e-30 : f32
      %max3A_269 = vector.broadcast %max3A_268 : f32 to vector<16xf32>
      %max3A_270 = arith.maximumf %mul3A_267, %max3A_269 : vector<16xf32>
      %bitcast3A = vector.bitcast %max3A_270 : vector<16xf32> to vector<16xi32>
      %shift_right_arithmetic3A = arith.constant 1 : i32
      %shift_right_arithmetic3A_271 = vector.broadcast %shift_right_arithmetic3A : i32 to vector<16xi32>
      %shift_right_arithmetic3A_272 = arith.shrsi %bitcast3A, %shift_right_arithmetic3A_271 : vector<16xi32>
      %sub3A_273 = arith.constant 1597463007 : i32
      %sub3A_274 = vector.broadcast %sub3A_273 : i32 to vector<16xi32>
      %sub3A_275 = arith.subi %sub3A_274, %shift_right_arithmetic3A_272 : vector<16xi32>
      %bitcast3A_276 = vector.bitcast %sub3A_275 : vector<16xi32> to vector<16xf32>
      %mul3A_277 = arith.constant 5.000000e-01 : f32
      %mul3A_278 = vector.broadcast %mul3A_277 : f32 to vector<16xf32>
      %mul3A_279 = arith.mulf %mul3A_278, %max3A_270 : vector<16xf32>
      %mul3A_280 = arith.mulf %mul3A_279, %bitcast3A_276 : vector<16xf32>
      %mul3A_281 = arith.mulf %mul3A_280, %bitcast3A_276 : vector<16xf32>
      %sub3A_282 = arith.constant 1.500000e+00 : f32
      %sub3A_283 = vector.broadcast %sub3A_282 : f32 to vector<16xf32>
      %sub3A_284 = arith.subf %sub3A_283, %mul3A_281 : vector<16xf32>
      %mul3A_285 = arith.mulf %bitcast3A_276, %sub3A_284 : vector<16xf32>
      %mul3A_286 = arith.constant 5.000000e-01 : f32
      %mul3A_287 = vector.broadcast %mul3A_286 : f32 to vector<16xf32>
      %mul3A_288 = arith.mulf %mul3A_287, %max3A_270 : vector<16xf32>
      %mul3A_289 = arith.mulf %mul3A_288, %mul3A_285 : vector<16xf32>
      %mul3A_290 = arith.mulf %mul3A_289, %mul3A_285 : vector<16xf32>
      %sub3A_291 = arith.constant 1.500000e+00 : f32
      %sub3A_292 = vector.broadcast %sub3A_291 : f32 to vector<16xf32>
      %sub3A_293 = arith.subf %sub3A_292, %mul3A_290 : vector<16xf32>
      %mul3A_294 = arith.mulf %mul3A_285, %sub3A_293 : vector<16xf32>
      %mul3A_295 = arith.constant 5.000000e-01 : f32
      %mul3A_296 = vector.broadcast %mul3A_295 : f32 to vector<16xf32>
      %mul3A_297 = arith.mulf %mul3A_296, %max3A_270 : vector<16xf32>
      %mul3A_298 = arith.mulf %mul3A_297, %mul3A_294 : vector<16xf32>
      %mul3A_299 = arith.mulf %mul3A_298, %mul3A_294 : vector<16xf32>
      %sub3A_300 = arith.constant 1.500000e+00 : f32
      %sub3A_301 = vector.broadcast %sub3A_300 : f32 to vector<16xf32>
      %sub3A_302 = arith.subf %sub3A_301, %mul3A_299 : vector<16xf32>
      %mul3A_303 = arith.mulf %mul3A_294, %sub3A_302 : vector<16xf32>
      %mul3A_304 = arith.mulf %sub3A, %mul3A_303 : vector<16xf32>
      %mul3A_305 = arith.constant 16 : i32
      %mul3A_306 = arith.muli %scan3A_235, %mul3A_305 : i32
      %add3A_307 = arith.constant 256 : i32
      %add3A_308 = arith.addi %add3A_307, %mul3A_306 : i32
      %mul3A_309 = arith.constant 4.000000e+00 : f32
      %mul3A_310 = vector.broadcast %mul3A_309 : f32 to vector<16xf32>
      %mul3A_311 = arith.mulf %mul3A_304, %mul3A_310 : vector<16xf32>
      %add3A_312 = arith.constant 1.000000e+00 : f32
      %add3A_313 = vector.broadcast %add3A_312 : f32 to vector<16xf32>
      %add3A_314 = arith.addf %mul3A_311, %add3A_313 : vector<16xf32>
      %swap3A_315 = arith.index_cast %add3A_308 : i32 to index
      %swap3A_316 = tpu.vector_load %arg13[%swap3A_315] {strides = array<i32>} : memref<512xf32, #tpu.memory_space<vmem>>, vector<16xf32>,
      tpu.vector_store %arg13[%swap3A_315], %add3A_314 {strides = array<i32>} : memref<512xf32, #tpu.memory_space<vmem>>, vector<16xf32>,
      %get3A = arith.index_cast %add3A_308 : i32 to index
      %get3A_317 = tpu.vector_load %arg12[%get3A] {strides = array<i32>} : memref<512xf32, #tpu.memory_space<vmem>>, vector<16xf32>,
      %sub3A_318 = arith.constant 1.000000e+00 : f32
      %sub3A_319 = vector.broadcast %sub3A_318 : f32 to vector<16xf32>
      %sub3A_320 = arith.subf %get3A_317, %sub3A_319 : vector<16xf32>
      %mul3A_321 = vector.broadcast %scan3A_193 : f32 to vector<16xf32>
      %mul3A_322 = arith.mulf %sub3A_320, %mul3A_321 : vector<16xf32>
      %sub3A_323 = arith.subf %mul3A_304, %mul3A_322 : vector<16xf32>
      %mul3A_324 = arith.mulf %sub3A_323, %sub3A_323 : vector<16xf32>
      %add3A_325 = arith.addf %scan3A_236, %mul3A_324 : vector<16xf32>
      scf.yield %add3A_325 : vector<16xf32>
    }
    %scan3A_199 = arith.constant 8 : i32
    %dma_wait3A_200 = arith.constant 128 : i32
    %dma_wait3A_201 = arith.constant 0 : i32
    %dma_wait3A_202 = tpu.memref_slice %arg10[%dma_wait3A_200, %dma_wait3A_201] : memref<256x128xf32, #tpu.memory_space<vmem>> -> memref<128x128xf32, #tpu.memory_space<vmem>>
    %dma_wait3A_203 = arith.constant 0 : i32
    %dma_wait3A_204 = arith.constant 0 : i32
    %dma_wait3A_205 = tpu.memref_slice %arg5[%dma_wait3A_203, %dma_wait3A_204] : memref<106496x128xf32, #tpu.memory_space<hbm>> -> memref<128x128xf32, #tpu.memory_space<hbm>>
    %dma_wait3A_206 = arith.constant 128 : i32
    %dma_wait3A_207 = arith.constant 0 : i32
    %dma_wait3A_208 = tpu.memref_slice %arg10[%dma_wait3A_206, %dma_wait3A_207] : memref<256x128xf32, #tpu.memory_space<vmem>> -> memref<128x128xf32, #tpu.memory_space<vmem>>
    %dma_wait3A_209 = arith.constant 0 : i32
    %dma_wait3A_210 = arith.constant 0 : i32
    %dma_wait3A_211 = tpu.memref_slice %arg5[%dma_wait3A_209, %dma_wait3A_210] : memref<106496x128xf32, #tpu.memory_space<hbm>> -> memref<128x128xf32, #tpu.memory_space<hbm>>
    tpu.wait_dma2 semaphore(%arg16 : memref<!tpu.dma_semaphore, #tpu.memory_space<semaphore_mem>>) src(%dma_wait3A_211 : memref<128x128xf32, #tpu.memory_space<hbm>>) dst(%dma_wait3A_208 : memref<128x128xf32, #tpu.memory_space<vmem>>)
    %dma_wait3A_212 = arith.constant 128 : i32
    %dma_wait3A_213 = arith.constant 0 : i32
    %dma_wait3A_214 = tpu.memref_slice %arg11[%dma_wait3A_212, %dma_wait3A_213] : memref<256x128xf32, #tpu.memory_space<vmem>> -> memref<128x128xf32, #tpu.memory_space<vmem>>
    %dma_wait3A_215 = arith.constant 0 : i32
    %dma_wait3A_216 = arith.constant 0 : i32
    %dma_wait3A_217 = tpu.memref_slice %arg5[%dma_wait3A_215, %dma_wait3A_216] : memref<106496x128xf32, #tpu.memory_space<hbm>> -> memref<128x128xf32, #tpu.memory_space<hbm>>
    %dma_wait3A_218 = arith.constant 128 : i32
    %dma_wait3A_219 = arith.constant 0 : i32
    %dma_wait3A_220 = tpu.memref_slice %arg11[%dma_wait3A_218, %dma_wait3A_219] : memref<256x128xf32, #tpu.memory_space<vmem>> -> memref<128x128xf32, #tpu.memory_space<vmem>>
    %dma_wait3A_221 = arith.constant 0 : i32
    %dma_wait3A_222 = arith.constant 0 : i32
    %dma_wait3A_223 = tpu.memref_slice %arg5[%dma_wait3A_221, %dma_wait3A_222] : memref<106496x128xf32, #tpu.memory_space<hbm>> -> memref<128x128xf32, #tpu.memory_space<hbm>>
    tpu.wait_dma2 semaphore(%arg16 : memref<!tpu.dma_semaphore, #tpu.memory_space<semaphore_mem>>) src(%dma_wait3A_223 : memref<128x128xf32, #tpu.memory_space<hbm>>) dst(%dma_wait3A_220 : memref<128x128xf32, #tpu.memory_space<vmem>>)
    %scan3A_224 = arith.constant 1.562500e-02 : f32
    %scan3A_225 = arith.constant 2.500000e-01 : f32
    %scan3A_226 = arith.constant 0 : i32
    %scan3A_227 = arith.constant 8 : i32
    %scan3A_228 = arith.addi %scan3A_226, %scan3A_227 : i32
    %scan3A_229 = arith.constant 1 : i32
    %scan3A_230 = scf.for %scan3A_235 = %scan3A_226 to %scan3A_228 step %scan3A_229 iter_args(%scan3A_236 = %scan3A_198) -> (vector<16xf32>)  : i32 {
      %mul3A_237 = arith.constant 16 : i32
      %mul3A_238 = arith.muli %scan3A_235, %mul3A_237 : i32
      %add3A_239 = arith.constant 128 : i32
      %add3A_240 = arith.addi %add3A_239, %mul3A_238 : i32
      %add3A_241 = vector.broadcast %add3A_240 : i32 to vector<16xi32>
      %add3A_242 = arith.addi %add3A_241, %iota3A : vector<16xi32>
      %broadcast_in_dim3A_243 = arith.constant 0.000000e+00 : f32
      %broadcast_in_dim3A_244 = vector.broadcast %broadcast_in_dim3A_243 : f32 to vector<16xf32>
      %scan3A_245 = arith.constant 0 : i32
      %scan3A_246 = arith.constant 8 : i32
      %scan3A_247 = arith.addi %scan3A_245, %scan3A_246 : i32
      %scan3A_248 = arith.constant 1 : i32
      %scan3A_249:5 = scf.for %scan3A_326 = %scan3A_245 to %scan3A_247 step %scan3A_248 iter_args(%scan3A_327 = %broadcast_in_dim3A_244, %scan3A_328 = %broadcast_in_dim3A_244, %scan3A_329 = %broadcast_in_dim3A_244, %scan3A_330 = %broadcast_in_dim3A_244, %scan3A_331 = %broadcast_in_dim3A_244) -> (vector<16xf32>, vector<16xf32>, vector<16xf32>, vector<16xf32>, vector<16xf32>)  : i32 {
        %mul3A_332 = arith.constant 8 : i32
        %mul3A_333 = arith.muli %scan3A_326, %mul3A_332 : i32
        %add3A_334 = arith.constant 0 : i32
        %add3A_335 = arith.addi %mul3A_333, %add3A_334 : i32
        %add3A_336 = vector.broadcast %add3A_335 : i32 to vector<16xi32>
        %add3A_337 = arith.addi %iota3A, %add3A_336 : vector<16xi32>
        %and3A = arith.constant 63 : i32
        %and3A_338 = vector.broadcast %and3A : i32 to vector<16xi32>
        %and3A_339 = arith.andi %add3A_337, %and3A_338 : vector<16xi32>
        %gather3A = tpu.vector_load_idx %arg10[%add3A_242, %and3A_339] : memref<256x128xf32, #tpu.memory_space<vmem>>[vector<16xi32>, vector<16xi32>], vector<16xf32>,
        %add3A_340 = arith.constant 64 : i32
        %add3A_341 = vector.broadcast %add3A_340 : i32 to vector<16xi32>
        %add3A_342 = arith.addi %and3A_339, %add3A_341 : vector<16xi32>
        %gather3A_343 = tpu.vector_load_idx %arg11[%add3A_242, %add3A_342] : memref<256x128xf32, #tpu.memory_space<vmem>>[vector<16xi32>, vector<16xi32>], vector<16xf32>,
        %add3A_344 = arith.addf %scan3A_327, %gather3A : vector<16xf32>
        %add3A_345 = arith.addf %scan3A_328, %gather3A_343 : vector<16xf32>
        %mul3A_346 = arith.mulf %gather3A, %gather3A : vector<16xf32>
        %add3A_347 = arith.addf %scan3A_329, %mul3A_346 : vector<16xf32>
        %mul3A_348 = arith.mulf %gather3A_343, %gather3A_343 : vector<16xf32>
        %add3A_349 = arith.addf %scan3A_330, %mul3A_348 : vector<16xf32>
        %mul3A_350 = arith.mulf %gather3A, %gather3A_343 : vector<16xf32>
        %add3A_351 = arith.addf %scan3A_331, %mul3A_350 : vector<16xf32>
        %mul3A_352 = arith.constant 8 : i32
        %mul3A_353 = arith.muli %scan3A_326, %mul3A_352 : i32
        %add3A_354 = arith.constant 1 : i32
        %add3A_355 = arith.addi %mul3A_353, %add3A_354 : i32
        %add3A_356 = vector.broadcast %add3A_355 : i32 to vector<16xi32>
        %add3A_357 = arith.addi %iota3A, %add3A_356 : vector<16xi32>
        %and3A_358 = arith.constant 63 : i32
        %and3A_359 = vector.broadcast %and3A_358 : i32 to vector<16xi32>
        %and3A_360 = arith.andi %add3A_357, %and3A_359 : vector<16xi32>
        %gather3A_361 = tpu.vector_load_idx %arg10[%add3A_242, %and3A_360] : memref<256x128xf32, #tpu.memory_space<vmem>>[vector<16xi32>, vector<16xi32>], vector<16xf32>,
        %add3A_362 = arith.constant 64 : i32
        %add3A_363 = vector.broadcast %add3A_362 : i32 to vector<16xi32>
        %add3A_364 = arith.addi %and3A_360, %add3A_363 : vector<16xi32>
        %gather3A_365 = tpu.vector_load_idx %arg11[%add3A_242, %add3A_364] : memref<256x128xf32, #tpu.memory_space<vmem>>[vector<16xi32>, vector<16xi32>], vector<16xf32>,
        %add3A_366 = arith.addf %add3A_344, %gather3A_361 : vector<16xf32>
        %add3A_367 = arith.addf %add3A_345, %gather3A_365 : vector<16xf32>
        %mul3A_368 = arith.mulf %gather3A_361, %gather3A_361 : vector<16xf32>
        %add3A_369 = arith.addf %add3A_347, %mul3A_368 : vector<16xf32>
        %mul3A_370 = arith.mulf %gather3A_365, %gather3A_365 : vector<16xf32>
        %add3A_371 = arith.addf %add3A_349, %mul3A_370 : vector<16xf32>
        %mul3A_372 = arith.mulf %gather3A_361, %gather3A_365 : vector<16xf32>
        %add3A_373 = arith.addf %add3A_351, %mul3A_372 : vector<16xf32>
        %mul3A_374 = arith.constant 8 : i32
        %mul3A_375 = arith.muli %scan3A_326, %mul3A_374 : i32
        %add3A_376 = arith.constant 2 : i32
        %add3A_377 = arith.addi %mul3A_375, %add3A_376 : i32
        %add3A_378 = vector.broadcast %add3A_377 : i32 to vector<16xi32>
        %add3A_379 = arith.addi %iota3A, %add3A_378 : vector<16xi32>
        %and3A_380 = arith.constant 63 : i32
        %and3A_381 = vector.broadcast %and3A_380 : i32 to vector<16xi32>
        %and3A_382 = arith.andi %add3A_379, %and3A_381 : vector<16xi32>
        %gather3A_383 = tpu.vector_load_idx %arg10[%add3A_242, %and3A_382] : memref<256x128xf32, #tpu.memory_space<vmem>>[vector<16xi32>, vector<16xi32>], vector<16xf32>,
        %add3A_384 = arith.constant 64 : i32
        %add3A_385 = vector.broadcast %add3A_384 : i32 to vector<16xi32>
        %add3A_386 = arith.addi %and3A_382, %add3A_385 : vector<16xi32>
        %gather3A_387 = tpu.vector_load_idx %arg11[%add3A_242, %add3A_386] : memref<256x128xf32, #tpu.memory_space<vmem>>[vector<16xi32>, vector<16xi32>], vector<16xf32>,
        %add3A_388 = arith.addf %add3A_366, %gather3A_383 : vector<16xf32>
        %add3A_389 = arith.addf %add3A_367, %gather3A_387 : vector<16xf32>
        %mul3A_390 = arith.mulf %gather3A_383, %gather3A_383 : vector<16xf32>
        %add3A_391 = arith.addf %add3A_369, %mul3A_390 : vector<16xf32>
        %mul3A_392 = arith.mulf %gather3A_387, %gather3A_387 : vector<16xf32>
        %add3A_393 = arith.addf %add3A_371, %mul3A_392 : vector<16xf32>
        %mul3A_394 = arith.mulf %gather3A_383, %gather3A_387 : vector<16xf32>
        %add3A_395 = arith.addf %add3A_373, %mul3A_394 : vector<16xf32>
        %mul3A_396 = arith.constant 8 : i32
        %mul3A_397 = arith.muli %scan3A_326, %mul3A_396 : i32
        %add3A_398 = arith.constant 3 : i32
        %add3A_399 = arith.addi %mul3A_397, %add3A_398 : i32
        %add3A_400 = vector.broadcast %add3A_399 : i32 to vector<16xi32>
        %add3A_401 = arith.addi %iota3A, %add3A_400 : vector<16xi32>
        %and3A_402 = arith.constant 63 : i32
        %and3A_403 = vector.broadcast %and3A_402 : i32 to vector<16xi32>
        %and3A_404 = arith.andi %add3A_401, %and3A_403 : vector<16xi32>
        %gather3A_405 = tpu.vector_load_idx %arg10[%add3A_242, %and3A_404] : memref<256x128xf32, #tpu.memory_space<vmem>>[vector<16xi32>, vector<16xi32>], vector<16xf32>,
        %add3A_406 = arith.constant 64 : i32
        %add3A_407 = vector.broadcast %add3A_406 : i32 to vector<16xi32>
        %add3A_408 = arith.addi %and3A_404, %add3A_407 : vector<16xi32>
        %gather3A_409 = tpu.vector_load_idx %arg11[%add3A_242, %add3A_408] : memref<256x128xf32, #tpu.memory_space<vmem>>[vector<16xi32>, vector<16xi32>], vector<16xf32>,
        %add3A_410 = arith.addf %add3A_388, %gather3A_405 : vector<16xf32>
        %add3A_411 = arith.addf %add3A_389, %gather3A_409 : vector<16xf32>
        %mul3A_412 = arith.mulf %gather3A_405, %gather3A_405 : vector<16xf32>
        %add3A_413 = arith.addf %add3A_391, %mul3A_412 : vector<16xf32>
        %mul3A_414 = arith.mulf %gather3A_409, %gather3A_409 : vector<16xf32>
        %add3A_415 = arith.addf %add3A_393, %mul3A_414 : vector<16xf32>
        %mul3A_416 = arith.mulf %gather3A_405, %gather3A_409 : vector<16xf32>
        %add3A_417 = arith.addf %add3A_395, %mul3A_416 : vector<16xf32>
        %mul3A_418 = arith.constant 8 : i32
        %mul3A_419 = arith.muli %scan3A_326, %mul3A_418 : i32
        %add3A_420 = arith.constant 4 : i32
        %add3A_421 = arith.addi %mul3A_419, %add3A_420 : i32
        %add3A_422 = vector.broadcast %add3A_421 : i32 to vector<16xi32>
        %add3A_423 = arith.addi %iota3A, %add3A_422 : vector<16xi32>
        %and3A_424 = arith.constant 63 : i32
        %and3A_425 = vector.broadcast %and3A_424 : i32 to vector<16xi32>
        %and3A_426 = arith.andi %add3A_423, %and3A_425 : vector<16xi32>
        %gather3A_427 = tpu.vector_load_idx %arg10[%add3A_242, %and3A_426] : memref<256x128xf32, #tpu.memory_space<vmem>>[vector<16xi32>, vector<16xi32>], vector<16xf32>,
        %add3A_428 = arith.constant 64 : i32
        %add3A_429 = vector.broadcast %add3A_428 : i32 to vector<16xi32>
        %add3A_430 = arith.addi %and3A_426, %add3A_429 : vector<16xi32>
        %gather3A_431 = tpu.vector_load_idx %arg11[%add3A_242, %add3A_430] : memref<256x128xf32, #tpu.memory_space<vmem>>[vector<16xi32>, vector<16xi32>], vector<16xf32>,
        %add3A_432 = arith.addf %add3A_410, %gather3A_427 : vector<16xf32>
        %add3A_433 = arith.addf %add3A_411, %gather3A_431 : vector<16xf32>
        %mul3A_434 = arith.mulf %gather3A_427, %gather3A_427 : vector<16xf32>
        %add3A_435 = arith.addf %add3A_413, %mul3A_434 : vector<16xf32>
        %mul3A_436 = arith.mulf %gather3A_431, %gather3A_431 : vector<16xf32>
        %add3A_437 = arith.addf %add3A_415, %mul3A_436 : vector<16xf32>
        %mul3A_438 = arith.mulf %gather3A_427, %gather3A_431 : vector<16xf32>
        %add3A_439 = arith.addf %add3A_417, %mul3A_438 : vector<16xf32>
        %mul3A_440 = arith.constant 8 : i32
        %mul3A_441 = arith.muli %scan3A_326, %mul3A_440 : i32
        %add3A_442 = arith.constant 5 : i32
        %add3A_443 = arith.addi %mul3A_441, %add3A_442 : i32
        %add3A_444 = vector.broadcast %add3A_443 : i32 to vector<16xi32>
        %add3A_445 = arith.addi %iota3A, %add3A_444 : vector<16xi32>
        %and3A_446 = arith.constant 63 : i32
        %and3A_447 = vector.broadcast %and3A_446 : i32 to vector<16xi32>
        %and3A_448 = arith.andi %add3A_445, %and3A_447 : vector<16xi32>
        %gather3A_449 = tpu.vector_load_idx %arg10[%add3A_242, %and3A_448] : memref<256x128xf32, #tpu.memory_space<vmem>>[vector<16xi32>, vector<16xi32>], vector<16xf32>,
        %add3A_450 = arith.constant 64 : i32
        %add3A_451 = vector.broadcast %add3A_450 : i32 to vector<16xi32>
        %add3A_452 = arith.addi %and3A_448, %add3A_451 : vector<16xi32>
        %gather3A_453 = tpu.vector_load_idx %arg11[%add3A_242, %add3A_452] : memref<256x128xf32, #tpu.memory_space<vmem>>[vector<16xi32>, vector<16xi32>], vector<16xf32>,
        %add3A_454 = arith.addf %add3A_432, %gather3A_449 : vector<16xf32>
        %add3A_455 = arith.addf %add3A_433, %gather3A_453 : vector<16xf32>
        %mul3A_456 = arith.mulf %gather3A_449, %gather3A_449 : vector<16xf32>
        %add3A_457 = arith.addf %add3A_435, %mul3A_456 : vector<16xf32>
        %mul3A_458 = arith.mulf %gather3A_453, %gather3A_453 : vector<16xf32>
        %add3A_459 = arith.addf %add3A_437, %mul3A_458 : vector<16xf32>
        %mul3A_460 = arith.mulf %gather3A_449, %gather3A_453 : vector<16xf32>
        %add3A_461 = arith.addf %add3A_439, %mul3A_460 : vector<16xf32>
        %mul3A_462 = arith.constant 8 : i32
        %mul3A_463 = arith.muli %scan3A_326, %mul3A_462 : i32
        %add3A_464 = arith.constant 6 : i32
        %add3A_465 = arith.addi %mul3A_463, %add3A_464 : i32
        %add3A_466 = vector.broadcast %add3A_465 : i32 to vector<16xi32>
        %add3A_467 = arith.addi %iota3A, %add3A_466 : vector<16xi32>
        %and3A_468 = arith.constant 63 : i32
        %and3A_469 = vector.broadcast %and3A_468 : i32 to vector<16xi32>
        %and3A_470 = arith.andi %add3A_467, %and3A_469 : vector<16xi32>
        %gather3A_471 = tpu.vector_load_idx %arg10[%add3A_242, %and3A_470] : memref<256x128xf32, #tpu.memory_space<vmem>>[vector<16xi32>, vector<16xi32>], vector<16xf32>,
        %add3A_472 = arith.constant 64 : i32
        %add3A_473 = vector.broadcast %add3A_472 : i32 to vector<16xi32>
        %add3A_474 = arith.addi %and3A_470, %add3A_473 : vector<16xi32>
        %gather3A_475 = tpu.vector_load_idx %arg11[%add3A_242, %add3A_474] : memref<256x128xf32, #tpu.memory_space<vmem>>[vector<16xi32>, vector<16xi32>], vector<16xf32>,
        %add3A_476 = arith.addf %add3A_454, %gather3A_471 : vector<16xf32>
        %add3A_477 = arith.addf %add3A_455, %gather3A_475 : vector<16xf32>
        %mul3A_478 = arith.mulf %gather3A_471, %gather3A_471 : vector<16xf32>
        %add3A_479 = arith.addf %add3A_457, %mul3A_478 : vector<16xf32>
        %mul3A_480 = arith.mulf %gather3A_475, %gather3A_475 : vector<16xf32>
        %add3A_481 = arith.addf %add3A_459, %mul3A_480 : vector<16xf32>
        %mul3A_482 = arith.mulf %gather3A_471, %gather3A_475 : vector<16xf32>
        %add3A_483 = arith.addf %add3A_461, %mul3A_482 : vector<16xf32>
        %mul3A_484 = arith.constant 8 : i32
        %mul3A_485 = arith.muli %scan3A_326, %mul3A_484 : i32
        %add3A_486 = arith.constant 7 : i32
        %add3A_487 = arith.addi %mul3A_485, %add3A_486 : i32
        %add3A_488 = vector.broadcast %add3A_487 : i32 to vector<16xi32>
        %add3A_489 = arith.addi %iota3A, %add3A_488 : vector<16xi32>
        %and3A_490 = arith.constant 63 : i32
        %and3A_491 = vector.broadcast %and3A_490 : i32 to vector<16xi32>
        %and3A_492 = arith.andi %add3A_489, %and3A_491 : vector<16xi32>
        %gather3A_493 = tpu.vector_load_idx %arg10[%add3A_242, %and3A_492] : memref<256x128xf32, #tpu.memory_space<vmem>>[vector<16xi32>, vector<16xi32>], vector<16xf32>,
        %add3A_494 = arith.constant 64 : i32
        %add3A_495 = vector.broadcast %add3A_494 : i32 to vector<16xi32>
        %add3A_496 = arith.addi %and3A_492, %add3A_495 : vector<16xi32>
        %gather3A_497 = tpu.vector_load_idx %arg11[%add3A_242, %add3A_496] : memref<256x128xf32, #tpu.memory_space<vmem>>[vector<16xi32>, vector<16xi32>], vector<16xf32>,
        %add3A_498 = arith.addf %add3A_476, %gather3A_493 : vector<16xf32>
        %add3A_499 = arith.addf %add3A_477, %gather3A_497 : vector<16xf32>
        %mul3A_500 = arith.mulf %gather3A_493, %gather3A_493 : vector<16xf32>
        %add3A_501 = arith.addf %add3A_479, %mul3A_500 : vector<16xf32>
        %mul3A_502 = arith.mulf %gather3A_497, %gather3A_497 : vector<16xf32>
        %add3A_503 = arith.addf %add3A_481, %mul3A_502 : vector<16xf32>
        %mul3A_504 = arith.mulf %gather3A_493, %gather3A_497 : vector<16xf32>
        %add3A_505 = arith.addf %add3A_483, %mul3A_504 : vector<16xf32>
        scf.yield %add3A_498, %add3A_499, %add3A_501, %add3A_503, %add3A_505 : vector<16xf32>, vector<16xf32>, vector<16xf32>, vector<16xf32>, vector<16xf32>
      }
      %scan3A_250 = arith.constant 8 : i32
      %mul3A_251 = arith.mulf %scan3A_249#0, %scan3A_249#1 : vector<16xf32>
      %mul3A_252 = vector.broadcast %scan3A_224 : f32 to vector<16xf32>
      %mul3A_253 = arith.mulf %mul3A_251, %mul3A_252 : vector<16xf32>
      %sub3A = arith.subf %scan3A_249#4, %mul3A_253 : vector<16xf32>
      %mul3A_254 = arith.mulf %scan3A_249#0, %scan3A_249#0 : vector<16xf32>
      %mul3A_255 = vector.broadcast %scan3A_224 : f32 to vector<16xf32>
      %mul3A_256 = arith.mulf %mul3A_254, %mul3A_255 : vector<16xf32>
      %sub3A_257 = arith.subf %scan3A_249#2, %mul3A_256 : vector<16xf32>
      %max3A = arith.constant 1.000000e-24 : f32
      %max3A_258 = vector.broadcast %max3A : f32 to vector<16xf32>
      %max3A_259 = arith.maximumf %sub3A_257, %max3A_258 : vector<16xf32>
      %mul3A_260 = arith.mulf %scan3A_249#1, %scan3A_249#1 : vector<16xf32>
      %mul3A_261 = vector.broadcast %scan3A_224 : f32 to vector<16xf32>
      %mul3A_262 = arith.mulf %mul3A_260, %mul3A_261 : vector<16xf32>
      %sub3A_263 = arith.subf %scan3A_249#3, %mul3A_262 : vector<16xf32>
      %max3A_264 = arith.constant 1.000000e-24 : f32
      %max3A_265 = vector.broadcast %max3A_264 : f32 to vector<16xf32>
      %max3A_266 = arith.maximumf %sub3A_263, %max3A_265 : vector<16xf32>
      %mul3A_267 = arith.mulf %max3A_259, %max3A_266 : vector<16xf32>
      %max3A_268 = arith.constant 1.000000e-30 : f32
      %max3A_269 = vector.broadcast %max3A_268 : f32 to vector<16xf32>
      %max3A_270 = arith.maximumf %mul3A_267, %max3A_269 : vector<16xf32>
      %bitcast3A = vector.bitcast %max3A_270 : vector<16xf32> to vector<16xi32>
      %shift_right_arithmetic3A = arith.constant 1 : i32
      %shift_right_arithmetic3A_271 = vector.broadcast %shift_right_arithmetic3A : i32 to vector<16xi32>
      %shift_right_arithmetic3A_272 = arith.shrsi %bitcast3A, %shift_right_arithmetic3A_271 : vector<16xi32>
      %sub3A_273 = arith.constant 1597463007 : i32
      %sub3A_274 = vector.broadcast %sub3A_273 : i32 to vector<16xi32>
      %sub3A_275 = arith.subi %sub3A_274, %shift_right_arithmetic3A_272 : vector<16xi32>
      %bitcast3A_276 = vector.bitcast %sub3A_275 : vector<16xi32> to vector<16xf32>
      %mul3A_277 = arith.constant 5.000000e-01 : f32
      %mul3A_278 = vector.broadcast %mul3A_277 : f32 to vector<16xf32>
      %mul3A_279 = arith.mulf %mul3A_278, %max3A_270 : vector<16xf32>
      %mul3A_280 = arith.mulf %mul3A_279, %bitcast3A_276 : vector<16xf32>
      %mul3A_281 = arith.mulf %mul3A_280, %bitcast3A_276 : vector<16xf32>
      %sub3A_282 = arith.constant 1.500000e+00 : f32
      %sub3A_283 = vector.broadcast %sub3A_282 : f32 to vector<16xf32>
      %sub3A_284 = arith.subf %sub3A_283, %mul3A_281 : vector<16xf32>
      %mul3A_285 = arith.mulf %bitcast3A_276, %sub3A_284 : vector<16xf32>
      %mul3A_286 = arith.constant 5.000000e-01 : f32
      %mul3A_287 = vector.broadcast %mul3A_286 : f32 to vector<16xf32>
      %mul3A_288 = arith.mulf %mul3A_287, %max3A_270 : vector<16xf32>
      %mul3A_289 = arith.mulf %mul3A_288, %mul3A_285 : vector<16xf32>
      %mul3A_290 = arith.mulf %mul3A_289, %mul3A_285 : vector<16xf32>
      %sub3A_291 = arith.constant 1.500000e+00 : f32
      %sub3A_292 = vector.broadcast %sub3A_291 : f32 to vector<16xf32>
      %sub3A_293 = arith.subf %sub3A_292, %mul3A_290 : vector<16xf32>
      %mul3A_294 = arith.mulf %mul3A_285, %sub3A_293 : vector<16xf32>
      %mul3A_295 = arith.constant 5.000000e-01 : f32
      %mul3A_296 = vector.broadcast %mul3A_295 : f32 to vector<16xf32>
      %mul3A_297 = arith.mulf %mul3A_296, %max3A_270 : vector<16xf32>
      %mul3A_298 = arith.mulf %mul3A_297, %mul3A_294 : vector<16xf32>
      %mul3A_299 = arith.mulf %mul3A_298, %mul3A_294 : vector<16xf32>
      %sub3A_300 = arith.constant 1.500000e+00 : f32
      %sub3A_301 = vector.broadcast %sub3A_300 : f32 to vector<16xf32>
      %sub3A_302 = arith.subf %sub3A_301, %mul3A_299 : vector<16xf32>
      %mul3A_303 = arith.mulf %mul3A_294, %sub3A_302 : vector<16xf32>
      %mul3A_304 = arith.mulf %sub3A, %mul3A_303 : vector<16xf32>
      %mul3A_305 = arith.constant 16 : i32
      %mul3A_306 = arith.muli %scan3A_235, %mul3A_305 : i32
      %add3A_307 = arith.constant 384 : i32
      %add3A_308 = arith.addi %add3A_307, %mul3A_306 : i32
      %mul3A_309 = arith.constant 4.000000e+00 : f32
      %mul3A_310 = vector.broadcast %mul3A_309 : f32 to vector<16xf32>
      %mul3A_311 = arith.mulf %mul3A_304, %mul3A_310 : vector<16xf32>
      %add3A_312 = arith.constant 1.000000e+00 : f32
      %add3A_313 = vector.broadcast %add3A_312 : f32 to vector<16xf32>
      %add3A_314 = arith.addf %mul3A_311, %add3A_313 : vector<16xf32>
      %swap3A_315 = arith.index_cast %add3A_308 : i32 to index
      %swap3A_316 = tpu.vector_load %arg13[%swap3A_315] {strides = array<i32>} : memref<512xf32, #tpu.memory_space<vmem>>, vector<16xf32>,
      tpu.vector_store %arg13[%swap3A_315], %add3A_314 {strides = array<i32>} : memref<512xf32, #tpu.memory_space<vmem>>, vector<16xf32>,
      %get3A = arith.index_cast %add3A_308 : i32 to index
      %get3A_317 = tpu.vector_load %arg12[%get3A] {strides = array<i32>} : memref<512xf32, #tpu.memory_space<vmem>>, vector<16xf32>,
      %sub3A_318 = arith.constant 1.000000e+00 : f32
      %sub3A_319 = vector.broadcast %sub3A_318 : f32 to vector<16xf32>
      %sub3A_320 = arith.subf %get3A_317, %sub3A_319 : vector<16xf32>
      %mul3A_321 = vector.broadcast %scan3A_225 : f32 to vector<16xf32>
      %mul3A_322 = arith.mulf %sub3A_320, %mul3A_321 : vector<16xf32>
      %sub3A_323 = arith.subf %mul3A_304, %mul3A_322 : vector<16xf32>
      %mul3A_324 = arith.mulf %sub3A_323, %sub3A_323 : vector<16xf32>
      %add3A_325 = arith.addf %scan3A_236, %mul3A_324 : vector<16xf32>
      scf.yield %add3A_325 : vector<16xf32>
    }
    %scan3A_231 = arith.constant 8 : i32
    %swap3A = arith.constant 0 : index
    %swap3A_232 = tpu.vector_load %arg14[%swap3A] {strides = array<i32>} : memref<16xf32, #tpu.memory_space<vmem>>, vector<16xf32>,
    tpu.vector_store %arg14[%swap3A], %scan3A_230 {strides = array<i32>} : memref<16xf32, #tpu.memory_space<vmem>>, vector<16xf32>,
    "tpu.region"() ({
      %run_scoped3A_235 = tpu.sem_alloc : memref<!tpu.dma_semaphore, #tpu.memory_space<semaphore_mem>>
      %dma_start3A_236 = tpu.memref_slice %arg6[%mul3A_2] : memref<16384xf32, #tpu.memory_space<hbm>> -> memref<512xf32, #tpu.memory_space<hbm>>
      %dma_start3A_237 = tpu.memref_slice %arg6[%mul3A_2] : memref<16384xf32, #tpu.memory_space<hbm>> -> memref<512xf32, #tpu.memory_space<hbm>>
      tpu.enqueue_dma source(%arg13 : memref<512xf32, #tpu.memory_space<vmem>>) target(%dma_start3A_237 : memref<512xf32, #tpu.memory_space<hbm>>) target_semaphore(%run_scoped3A_235 : memref<!tpu.dma_semaphore, #tpu.memory_space<semaphore_mem>>)
      %dma_wait3A_238 = tpu.memref_slice %arg6[%mul3A_2] : memref<16384xf32, #tpu.memory_space<hbm>> -> memref<512xf32, #tpu.memory_space<hbm>>
      %dma_wait3A_239 = tpu.memref_slice %arg6[%mul3A_2] : memref<16384xf32, #tpu.memory_space<hbm>> -> memref<512xf32, #tpu.memory_space<hbm>>
      tpu.wait_dma2 semaphore(%run_scoped3A_235 : memref<!tpu.dma_semaphore, #tpu.memory_space<semaphore_mem>>) src(%arg13 : memref<512xf32, #tpu.memory_space<vmem>>) dst(%dma_wait3A_239 : memref<512xf32, #tpu.memory_space<hbm>>)
      tpu.yield
    }) : () -> ()
    %mul3A_233 = arith.constant 16 : i32
    %mul3A_234 = arith.muli %add3A, %mul3A_233 : i32
    "tpu.region"() ({
      %run_scoped3A_235 = tpu.sem_alloc : memref<!tpu.dma_semaphore, #tpu.memory_space<semaphore_mem>>
      %dma_start3A_236 = tpu.memref_slice %arg7[%mul3A_234] : memref<512xf32, #tpu.memory_space<hbm>> -> memref<16xf32, #tpu.memory_space<hbm>>
      %dma_start3A_237 = tpu.memref_slice %arg7[%mul3A_234] : memref<512xf32, #tpu.memory_space<hbm>> -> memref<16xf32, #tpu.memory_space<hbm>>
      tpu.enqueue_dma source(%arg14 : memref<16xf32, #tpu.memory_space<vmem>>) target(%dma_start3A_237 : memref<16xf32, #tpu.memory_space<hbm>>) target_semaphore(%run_scoped3A_235 : memref<!tpu.dma_semaphore, #tpu.memory_space<semaphore_mem>>)
      %dma_wait3A_238 = tpu.memref_slice %arg7[%mul3A_234] : memref<512xf32, #tpu.memory_space<hbm>> -> memref<16xf32, #tpu.memory_space<hbm>>
      %dma_wait3A_239 = tpu.memref_slice %arg7[%mul3A_234] : memref<512xf32, #tpu.memory_space<hbm>> -> memref<16xf32, #tpu.memory_space<hbm>>
      tpu.wait_dma2 semaphore(%run_scoped3A_235 : memref<!tpu.dma_semaphore, #tpu.memory_space<semaphore_mem>>) src(%arg14 : memref<16xf32, #tpu.memory_space<vmem>>) dst(%dma_wait3A_239 : memref<16xf32, #tpu.memory_space<hbm>>)
      tpu.yield
    }) : () -> ()
    return
  }
}

module attributes {stable_mosaic.version = 14 : i64} {
  func.func @_transpose_cat_body(%arg0: i32, %arg1: memref<64x8192xf32, #tpu.memory_space<vmem>>, %arg2: memref<64x8192xf32, #tpu.memory_space<vmem>>, %arg3: memref<8192x128xf32, #tpu.memory_space<vmem>>) attributes {dimension_semantics = [#tpu.dimension_semantics<arbitrary>], iteration_bounds = array<i64: 13>, scalar_prefetch = 0 : i64, scratch_operands = 0 : i64, tpu.core_type = #tpu.core_type<tc>, window_params = [{transform_indices = @transform_0, window_bounds = array<i64: 64, 8192>}, {transform_indices = @transform_1, window_bounds = array<i64: 64, 8192>}, {transform_indices = @transform_2, window_bounds = array<i64: 8192, 128>}]} {
    %get3A = arith.constant 0 : index
    %get3A_0 = arith.constant 0 : index
    %get3A_1 = vector.load %arg1[%get3A, %get3A_0] : memref<64x8192xf32, #tpu.memory_space<vmem>>, vector<64x8192xf32>
    %transpose3A = tpu.transpose %get3A_1, [1, 0] : vector<64x8192xf32> -> vector<8192x64xf32>
    %get3A_2 = arith.constant 0 : index
    %get3A_3 = arith.constant 0 : index
    %get3A_4 = vector.load %arg2[%get3A_2, %get3A_3] : memref<64x8192xf32, #tpu.memory_space<vmem>>, vector<64x8192xf32>
    %transpose3A_5 = tpu.transpose %get3A_4, [1, 0] : vector<64x8192xf32> -> vector<8192x64xf32>
    %concatenate3A = tpu.concatenate %transpose3A, %transpose3A_5 in 1 : vector<8192x64xf32>, vector<8192x64xf32> -> vector<8192x128xf32>
    %swap3A = arith.constant 0 : index
    %swap3A_6 = arith.constant 0 : index
    %swap3A_7 = vector.load %arg3[%swap3A, %swap3A_6] : memref<8192x128xf32, #tpu.memory_space<vmem>>, vector<8192x128xf32>
    tpu.vector_store %arg3[%swap3A, %swap3A_6], %concatenate3A {strides = array<i32>} : memref<8192x128xf32, #tpu.memory_space<vmem>>, vector<8192x128xf32>,
    return
  }
  func.func @transform_0(%arg0: i32) -> (i32, i32) {
    %c0_i32 = arith.constant 0 : i32
    %c0_i32_0 = arith.constant 0 : i32
    return %c0_i32, %arg0 : i32, i32
  }
  func.func @transform_1(%arg0: i32) -> (i32, i32) {
    %c0_i32 = arith.constant 0 : i32
    %c0_i32_0 = arith.constant 0 : i32
    return %c0_i32, %arg0 : i32, i32
  }
  func.func @transform_2(%arg0: i32) -> (i32, i32) {
    %c0_i32 = arith.constant 0 : i32
    %c0_i32_0 = arith.constant 0 : i32
    return %arg0, %c0_i32 : i32, i32
  }
}

</mosaic_0001>

<sc_bundles>
// kernel: kernel.4.cloned.1.call-start
scs
__scs_entry_jumppad:
0x0: {  	(pc) =	sbr.rel $0x88, $3  }
0x1: {  	(tag) =	ssettag $0x0;
	lr =	simm.s32 $0x1  }
0x2: {  	[smem:$0x3F9C] =	sst lr;
	_ =	strace $0xD0000000  }
0x3: {  	_ = 	snop  }
0x4: {  	_ = 	snop  }
0x5: {  	_ = 	snop  }
0x6: {  	_ = 	snop  }
0x7: {  	_ = 	snop  }
__scs_overlays_trampoline_lowered:
0x8: {  	[smem:$0x3FAB] =	sst s0  }
0x9: {  	[smem:$0x3FAC] =	sst s1  }
0xa: {  	[smem:$0x3FAD] =	sst s2  }
0xb: {  	[smem:$0x3FAE] =	sst s3  }
0xc: {  	[smem:$0x3FAF] =	sst s4  }
0xd: {  	[smem:$0x3FB0] =	sst s5  }
0xe: {  	[smem:$0x3FB1] =	sst s6  }
0xf: {  	[smem:$0x3FB2] =	sst s7  }
0x10: {  	[smem:$0x3FB3] =	sst s8  }
0x11: {  	[smem:$0x3FB4] =	sst s9;
	s0 =	simm.s32 @!p0 $0x0  }
0x12: {  	s1 =	sld [smem:$0x3F9A];
	s0 =	simm.s32 @p0 $0x1  }
0x13: {  	[smem:$0x3FB5] =	sst s0;
	s0 =	simm.s32 @!p1 $0x0  }
0x14: {  	s2 =	sld [smem:$0x3F99];
	s0 =	simm.s32 @p1 $0x1  }
0x15: {  	[smem:$0x3FB6] =	sst s0;
	s0 =	simm.s32 @!p2 $0x0  }
0x16: {  	s3 =	sld [smem:$0x3FDB];
	s0 =	simm.s32 @p2 $0x1  }
0x17: {  	s4 =	simm.s32 $0x1BF5;
	[smem:$0x3FB8] =	sst s0  }
0x18: {  	s0 =	sld [smem:$0x3F9B];
	_ =	swait.ge [sflag:s4], $0x0  }
0x19: {  	s7 =	sld [smem:$0x3F9C]  }
0x1a: {  	s8 =	sadd.s32 $0xFFFFE003, lr  }
0x1b: {  	s9 =	sadd.s32 $0xFFFFFEF7, lr;
	s5 =	simm.s32 $0xFFFFFFFF;
	p2 =	slt.u32 s8, $0xFFFFF086  }
0x1c: {  	p1 =	slt.u32 s9, $0xF7A;
	s5 =	simm.s32 @!p2 $0x0  }
0x1d: {  	s5 =	simm.s32 @p1 $0x1;
	p0 =	seq.s32 s7, s2  }
0x1e: {  	s7 =	smul.u32 @!p0 $0xF7A, s2;
	p2 =	seq.s32 @!p0 s5, $0x0  }
0x1f: {  	s9 =	smul.u32 $0xF7A, s1;
	s8 =	simm.s32 @!p0 $0x1BF5;
	p2 =	por !p2, p0  }
0x20: {  	[sflag:s8] =	ssyncset.s32 @!p0 $0xFFFFF086;
	s6 =	sadd.s32 @!p0 s3, s7;
	s7 =	simm.s32 @!p0 $0x108  }
0x21: {  	s3 =	sadd.s32 s3, s9;
	s6 =	sadd.s32 @!p0 $0x88, s6;
	s7 =	simm.s32 @p2 $0x1082  }
0x22: {  	[simem:s7], [sflag:s8] =	dma.local @!p0 [hbm:s6], $0xF7A  }
0x23: {  	s9 =	sor.u32 $0xD0000000, s2;
	s6 =	simm.s32 $0x108;
	_ =	swait.ge @!p0 [sflag:s8], $0x0  }
0x24: {  	s3 =	sadd.s32 $0x88, s3;
	s6 =	simm.s32 @!p1 $0x1082;
	[sflag:s4] =	ssyncset.s32 $0xFFFFF086  }
0x25: {  	[simem:s6], [sflag:s4] =	dma.local [hbm:s3], $0xF7A  }
0x26: {  	[smem:$0x3F9C] =	sst s1;
	(tag) =	ssettag s2;
	_ =	strace s9  }
0x27: {  	s1 =	sld [smem:$0x3FAC]  }
0x28: {  	s2 =	sld [smem:$0x3FAD]  }
0x29: {  	s4 =	sld [smem:$0x3FAF]  }
0x2a: {  	p0 =	seq.s32 s5, $0x0;
	s5 =	sld [smem:$0x3FB0]  }
0x2b: {  	s6 =	sld [smem:$0x3FB1]  }
0x2c: {  	s7 =	sld [smem:$0x3FB2]  }
0x2d: {  	s3 =	simm.s32 $0x108;
	s8 =	sld [smem:$0x3FB3]  }
0x2e: {  	s3 =	simm.s32 @!p0 $0x1082;
	s9 =	sld [smem:$0x3FB4]  }
0x2f: {  	lr =	sadd.s32 s0, s3;
	s0 =	sld [smem:$0x3FAB]  }
0x30: {  	s3 =	sld [smem:$0x3FAE]  }
0x31: {  	[smem:$0x3FB7] =	sst s10  }
0x32: {  	s10 =	sld [smem:$0x3FB5];
	_ =	sdelay $0x3  }
0x33: {  	p0 =	seq.s32 s10, $0x1;
	s10 =	sld [smem:$0x3FB7];
	_ =	sdelay $0x3  }
0x34: {  	[smem:$0x3FB7] =	sst s10  }
0x35: {  	s10 =	sld [smem:$0x3FB6];
	_ =	sdelay $0x3  }
0x36: {  	p1 =	seq.s32 s10, $0x1;
	s10 =	sld [smem:$0x3FB7];
	_ =	sdelay $0x3  }
0x37: {  	[smem:$0x3FB7] =	sst s10  }
0x38: {  	s10 =	sld [smem:$0x3FB8]  }
0x39: {  	_ = 	snop;
	(pc) =	sbr.ind lr, $3  }
0x3a: {  	_ = 	snop  }
0x3b: {  	_ = 	snop  }
0x3c: {  	p2 =	seq.s32 s10, $0x1;
	s10 =	sld [smem:$0x3FB7]  }
0x3d: {  	_ =	shalt  }
0x3e: {  	_ =	shalt  }
0x3f: {  	_ =	shalt  }
0x40: {  	_ =	shalt  }
0x41: {  	_ =	shalt  }
0x42: {  	_ =	shalt  }
0x43: {  	_ =	shalt  }
0x44: {  	_ =	shalt  }
0x45: {  	_ =	shalt  }
0x46: {  	_ =	shalt  }
0x47: {  	_ =	shalt  }
0x48: {  	_ =	shalt  }
0x49: {  	_ =	shalt  }
0x4a: {  	_ =	shalt  }
0x4b: {  	_ =	shalt  }
0x4c: {  	_ =	shalt  }
0x4d: {  	_ =	shalt  }
0x4e: {  	_ =	shalt  }
0x4f: {  	_ =	shalt  }
0x50: {  	_ =	shalt  }
0x51: {  	_ =	shalt  }
0x52: {  	_ =	shalt  }
0x53: {  	_ =	shalt  }
0x54: {  	_ =	shalt  }
0x55: {  	_ =	shalt  }
0x56: {  	_ =	shalt  }
0x57: {  	_ =	shalt  }
0x58: {  	_ =	shalt  }
0x59: {  	_ =	shalt  }
0x5a: {  	_ =	shalt  }
0x5b: {  	_ =	shalt  }
0x5c: {  	_ =	shalt  }
0x5d: {  	_ =	shalt  }
0x5e: {  	_ =	shalt  }
0x5f: {  	_ =	shalt  }
0x60: {  	_ =	shalt  }
0x61: {  	_ =	shalt  }
0x62: {  	_ =	shalt  }
0x63: {  	_ =	shalt  }
0x64: {  	_ =	shalt  }
0x65: {  	_ =	shalt  }
0x66: {  	_ =	shalt  }
0x67: {  	_ =	shalt  }
0x68: {  	_ =	shalt  }
0x69: {  	_ =	shalt  }
0x6a: {  	_ =	shalt  }
0x6b: {  	_ =	shalt  }
0x6c: {  	_ =	shalt  }
0x6d: {  	_ =	shalt  }
0x6e: {  	_ =	shalt  }
0x6f: {  	_ =	shalt  }
0x70: {  	_ =	shalt  }
0x71: {  	_ =	shalt  }
0x72: {  	_ =	shalt  }
0x73: {  	_ =	shalt  }
0x74: {  	_ =	shalt  }
0x75: {  	_ =	shalt  }
0x76: {  	_ =	shalt  }
0x77: {  	_ =	shalt  }
0x78: {  	_ =	shalt  }
0x79: {  	_ =	shalt  }
0x7a: {  	_ =	shalt  }
0x7b: {  	_ =	shalt  }
0x7c: {  	_ =	shalt  }
0x7d: {  	_ =	shalt  }
0x7e: {  	_ =	shalt  }
0x7f: {  	_ =	shalt  }
0x80: {  	_ =	shalt  }
0x81: {  	_ =	shalt  }
0x82: {  	_ =	shalt  }
0x83: {  	_ =	shalt  }
0x84: {  	_ =	shalt  }
0x85: {  	_ =	shalt  }
0x86: {  	_ =	shalt  }
0x87: {  	_ =	shalt  }
.Lfunc_end0:
.L_simem_size_0:
called_computation_lowered:
.L_overlay_start_0:
0x88: {  	s2 =	sld [smem:$0x3FD9]  }
0x89: {  	s3 =	sld [smem:$0x3FFE];
	_ =	sdelay $0x1  }
0x8a: {  	s1 =	srdreg.scid  }
0x8b: {  	s0 =	sand.u32 $0x1, s1  }
0x8c: {  	s14 =	sshll.u32 s0, $0xA;
	s2 =	sadd.s32 s3, s2  }
0x8d: {  	s2 =	sadd.s32 s2, s14  }
0x8e: {  	[smem:$0x3FC3] =	sst s2  }
0x8f: {  	_ = 	snop  }
0x90: {  	s2 =	sld [smem:$0x3FD0]  }
0x91: {  	s15 =	sld [smem:$0x3FC9]  }
0x92: {  	s4 =	sld [smem:$0x3FC8]  }
0x93: {  	s6 =	simm.s32 $0xA;
	s7 =	simm.s32 $0x10;
	s5 =	sld [smem:$0x3FC7]  }
0x94: {  	[smem:s7], [sflag:s6] =	dma.local [hbm:s2], $0x1  }
0x95: {  	_ =	swait.eq [sflag:s6], $0x1  }
0x96: {  	[sflag:s6] =	ssyncset.done $0x0  }
0x97: {  	[sflag:s6] =	ssyncadd.s32 $0xFFFFFFFF  }
0x98: {  	s16 =	sld [smem:$0x11];
	(tm) =	ssettm $0x1  }
0x99: {  	s17 =	sld [smem:$0x3FFB];
	_ =	sdelay $0x3  }
0x9a: {  	_ =	strace s17  }
0x9b: {  	s6 =	sld [smem:$0x3FFC];
	_ =	sdelay $0x3  }
0x9c: {  	_ =	strace s6  }
0x9d: {  	s6 =	sld [smem:$0x3FFD];
	_ =	sdelay $0x3  }
0x9e: {  	_ =	strace s6  }
0x9f: {  	_ =	strace $0x8FFFFFFF  }
0xa0: {  	s18 =	sld [smem:$0x3FDB];
	_ =	sdelay $0x1  }
0xa1: {  	s19 =	simm.s32 $_scs_section_size  }
0xa2: {  	s8 =	simm.s32 $_size__tile_overlayer_lowered;
	s9 =	simm.s32 $_tile_overlayer_lowered  }
0xa3: {  	s22 =	simm.s32 $0x1BFF;
	s21 =	sshll.u32 s9, $0x1;
	s6 =	sadd.s32 s19, s18  }
0xa4: {  	s10 =	simm.s32 $0x0;
	s20 =	sshll.u32 s8, $0x1;
	s8 =	sadd.s32 s21, s6  }
0xa5: {  	[timem:s10], [sflag:s22] =	dma.local [hbm:s8], s20  }
0xa6: {  	_ =	swait.ge [sflag:s22], s20  }
0xa7: {  	s7 =	ssub.s32 $0x0, s20;
	[sflag:s22] =	ssyncset.done $0x0  }
0xa8: {  	[sflag:s22] =	ssyncadd.s32 s7;
	_ =	sdelay $0x1  }
0xa9: {  	s23 =	simm.s32 $0x1B8B  }
0xaa: {  	_ =	swait.ge [sflag:s23], $0x1  }
0xab: {  	[sflag:s23] =	ssyncset.done $0x0  }
0xac: {  	s25 =	simm.s32 $0x1B8E;
	s24 =	sld [smem:$0x3FFE];
	[sflag:s23] =	ssyncadd.s32 $0xFFFFFFFF  }
0xad: {  	s26 =	simm.s32 $execute0_lowered;
	[smem:$0x3FD2] =	sst s25  }
0xae: {  	s8 =	sshll.u32 s26, $0x1;
	_ =	strace $0x80000046;
	[dreg:$0x1] =	wrdreg $0xFFFFFFFF  }
0xaf: {  	s28 =	simm.s32 $_size_execute0_lowered;
	s6 =	sadd.s32 s6, s8;
	[dreg:$0x0] =	wrdreg $0x0  }
0xb0: {  	s8 =	sshll.u32 s28, $0x1;
	[dreg:$0x2] =	wrdreg s6  }
0xb1: {  	[dreg:$0x3] =	wrdreg s8  }
0xb2: {  	[dreg:$0x4] =	wrdreg $0xC0  }
0xb3: {  	_ =	task [dreg:s10], $0x5FFFF  }
0xb4: {  	[dreg:$0x1] =	wrdreg $0xFFFFFFFF  }
0xb5: {  	[dreg:$0x0] =	wrdreg $0x60  }
0xb6: {  	[dreg:$0x2] =	wrdreg s15  }
0xb7: {  	[dreg:$0x3] =	wrdreg s4  }
0xb8: {  	[dreg:$0x4] =	wrdreg s5  }
0xb9: {  	[dreg:$0x5] =	wrdreg s24  }
0xba: {  	[dreg:$0x6] =	wrdreg s16  }
0xbb: {  	[dreg:$0x7] =	wrdreg $0x9  }
0xbc: {  	_ =	task.clear_ibuf [dreg:s10], $0x8FFFF;
	_ =	strace $0x90000046  }
0xbd: {  	s29 =	simm.s32 $0x9;
	_ =	strace $0x80000048  }
0xbe: {  	_ =	swait.ge [sflag:s29], $0x1  }
0xbf: {  	[sflag:s29] =	ssyncadd.s32 $0xFFFFFFFF  }
0xc0: {  	_ =	strace $0x90000048  }
0xc1: {  	_ =	sfence  }
0xc2: {  	s30 =	sld [smem:$0x0];
	_ =	sdelay $0x2  }
0xc3: {  	s31 =	sshll.u32 s1, $0xD;
	s1 =	sshrl.u32 s1, $0x2  }
0xc4: {  	s3 =	sand.u32 $0x4000, s31;
	s1 =	sadd.s32 s1, s30  }
0xc5: {  	s0 =	sor.u32 s3, s0;
	s1 =	sshll.u32 s1, $0x11  }
0xc6: {  	s0 =	sor.u32 s1, s0  }
0xc7: {  	s0 =	sadd.s32 $0x8F2B, s0  }
0xc8: {  	[sflag:s0] =	ssyncadd.remote.s32 $0x1  }
0xc9: {  	_ =	sfence.sel $0xFFFF  }
0xca: {  	[dreg:$0x0] =	wrdreg $0xFFFFFFFF;
	(pc) =	sbr.abs _section_cstart, $3  }
0xcb: {  	[dreg:$0x1] =	wrdreg $0xFFFFFFFF  }
0xcc: {  	_ =	task.clear_ibuf [dreg:s10], $0x2FFFF;
	_ =	strace $0x9FFFFFFF  }
0xcd: {  	(tm) =	ssettm $0x7FFFFFFF  }
tec
execute0_lowered:
.L_overlay_start_1:
0x0: {  	(tag) =	ssettag $0x1  }
0x1: {  	s0 =	rddreg [dreg:$0x0]  }
0x2: {  	s1 =	rddreg [dreg:$0x1]  }
0x3: {  	s12 =	rddreg [dreg:$0x2]  }
0x4: {  	s4 =	rddreg [dreg:$0x3]  }
0x5: {  	s13 =	rddreg [dreg:$0x4];
	s2 =	simm.s32 $0x0;
	s3 =	srdreg.scid  }
0x6: {  	s5 =	stileid.u32;
	s18 =	simm.s32 $0x80;
	s22 =	simm.s32 $0x180  }
0x7: {  	s23 =	simm.s32 $0x380;
	s25 =	simm.s32 $0x400;
	s28 =	simm.s32 $0x4400  }
0x8: {  	s29 =	simm.s32 $0xC400;
	s30 =	simm.s32 $0x1;
	s31 =	simm.s32 $0x2  }
0x9: {  	[smem:$0x7FF] =	sst s2;
	s3 =	sand.u32 $0x1, s3;
	s5 =	sshll.u32 s5, $0x1  }
0xa: {  	s24 =	simm.s32 $0x0;
	_ =	strace $0x80000047;
	s5 =	sor.u32 s3, s5  }
0xb: {  	s6 =	ssub.s32 $0x2, s3;
	s3 =	sadd.s32 $0x400, s4;
	s7 =	sshll.u32 s5, $0x1  }
0xc: {  	s8 =	sshrl.u32 s6, $0x1;
	s16 =	sshll.u32 s5, $0x6;
	s14 =	sadd.s32 s7, s4  }
0xd: {  	s15 =	ssub.s32 s6, s8;
	s4 =	sadd.s32 s0, s16;
	s5 =	sadd.s32 s1, s16  }
0xe: {  	s26 =	sor.u32 $0x10, s16;
	s9 =	sor.u32 $0x20, s16;
	s11 =	sor.u32 $0x30, s16  }
0xf: {  	s12 =	sadd.s32 s12, s16;
	s13 =	sadd.s32 s13, s16;
	s16 =	simm.s32 $0x3  }
0x10: {  	s6 =	sadd.s32 s0, s26;
	s7 =	sadd.s32 s1, s26;
	s8 =	sadd.s32 s0, s9  }
0x11: {  	v0 =	vlaneseq.u32;
	s9 =	sadd.s32 s1, s9;
	s10 =	sadd.s32 s0, s11;
	s11 =	sadd.s32 s1, s11  }
0x12: {  	v1 =	vmul.u32 $0x80, v0;
	s14 =	sadd.s32 $0x1A0400, s14;
	s15 =	smax.u32 s15, $0x1;
	s26 =	simm.s32 $0x8400  }
.LBB2_1:
0x13: {  	[tilespmem:s2], [sflag:$0x3] =	stream.linear.gather [hbm4b:s4+s2], $0x80, $0x38;
	[tilespmem:$0x10880] =	vst v63  }
0x14: {  	_ =	swait.ge [sflag:s16], $0x80  }
0x15: {  	[sflag:s16] =	ssyncset.done $0x0  }
0x16: {  	s0 =	simm.s32 $0x200;
	[sflag:s16] =	ssyncadd.s32 $0xFFFFFF80  }
0x17: {  	[tilespmem:s0], [sflag:$0x3] =	stream.linear.gather [hbm4b:s5+s2], $0x80, $0x38;
	[tilespmem:$0x10880] =	vst v63  }
0x18: {  	_ =	swait.ge [sflag:s16], $0x80  }
0x19: {  	[sflag:s16] =	ssyncset.done $0x0  }
0x1a: {  	[sflag:s16] =	ssyncadd.s32 $0xFFFFFF80  }
0x1b: {  	[tilespmem:s18], [sflag:$0x3] =	stream.linear.gather [hbm4b:s6+s2], $0x80, $0x38;
	[tilespmem:$0x10880] =	vst v63  }
0x1c: {  	_ =	swait.ge [sflag:s16], $0x80  }
0x1d: {  	[sflag:s16] =	ssyncset.done $0x0  }
0x1e: {  	s1 =	simm.s32 $0x280;
	[sflag:s16] =	ssyncadd.s32 $0xFFFFFF80  }
0x1f: {  	[tilespmem:s1], [sflag:$0x3] =	stream.linear.gather [hbm4b:s7+s2], $0x80, $0x38;
	[tilespmem:$0x10880] =	vst v63  }
0x20: {  	_ =	swait.ge [sflag:s16], $0x80  }
0x21: {  	[sflag:s16] =	ssyncset.done $0x0  }
0x22: {  	s17 =	simm.s32 $0x100;
	[sflag:s16] =	ssyncadd.s32 $0xFFFFFF80  }
0x23: {  	[tilespmem:s17], [sflag:$0x3] =	stream.linear.gather [hbm4b:s8+s2], $0x80, $0x38;
	[tilespmem:$0x10880] =	vst v63  }
0x24: {  	_ =	swait.ge [sflag:s16], $0x80  }
0x25: {  	[sflag:s16] =	ssyncset.done $0x0  }
0x26: {  	s20 =	simm.s32 $0x300;
	[sflag:s16] =	ssyncadd.s32 $0xFFFFFF80  }
0x27: {  	[tilespmem:s20], [sflag:$0x3] =	stream.linear.gather [hbm4b:s9+s2], $0x80, $0x38;
	[tilespmem:$0x10880] =	vst v63  }
0x28: {  	_ =	swait.ge [sflag:s16], $0x80  }
0x29: {  	[sflag:s16] =	ssyncset.done $0x0  }
0x2a: {  	[sflag:s16] =	ssyncadd.s32 $0xFFFFFF80  }
0x2b: {  	[tilespmem:s22], [sflag:$0x3] =	stream.linear.gather [hbm4b:s10+s2], $0x80, $0x38;
	[tilespmem:$0x10880] =	vst v63  }
0x2c: {  	_ =	swait.ge [sflag:s16], $0x80  }
0x2d: {  	[sflag:s16] =	ssyncset.done $0x0  }
0x2e: {  	[sflag:s16] =	ssyncadd.s32 $0xFFFFFF80  }
0x2f: {  	[tilespmem:s23], [sflag:$0x3] =	stream.linear.gather [hbm4b:s11+s2], $0x80, $0x38;
	[tilespmem:$0x10880] =	vst v63  }
0x30: {  	_ =	swait.ge [sflag:s16], $0x80  }
0x31: {  	[sflag:s16] =	ssyncset.done $0x0  }
0x32: {  	s21 =	simm.s32 $0x10400;
	[sflag:s16] =	ssyncadd.s32 $0xFFFFFF80  }
0x33: {  	[tilespmem:s21], [sflag:$0x3] =	stream.linear.gather [hbm4b:s12+s2], $0x200, $0x38;
	[tilespmem:$0x10880] =	vst v63  }
0x34: {  	_ =	swait.ge [sflag:s16], $0x200  }
0x35: {  	[sflag:s16] =	ssyncset.done $0x0  }
0x36: {  	[sflag:s16] =	ssyncadd.s32 $0xFFFFFE00  }
0x37: {  	[tilespmem:s25], [sflag:$0x1] =	stream.indirect.gather [hbm4b:s3+s18], $0x80, s2, s18, $0xb8;
	[tilespmem:$0x10880] =	vst v63  }
0x38: {  	_ = 	snop  }
0x39: {  	[tilespmem:s26], [sflag:$0x1] =	stream.indirect.gather [hbm4b:s3+s18], $0x80, s0, s18, $0xb8;
	[tilespmem:$0x10880] =	vst v63  }
0x3a: {  	_ = 	snop  }
0x3b: {  	[tilespmem:s28], [sflag:$0x2] =	stream.indirect.gather [hbm4b:s3+s18], $0x80, s18, s18, $0xb8;
	[tilespmem:$0x10880] =	vst v63  }
0x3c: {  	_ = 	snop  }
0x3d: {  	[tilespmem:s29], [sflag:$0x2] =	stream.indirect.gather [hbm4b:s3+s18], $0x80, s1, s18, $0xb8;
	[tilespmem:$0x10880] =	vst v63  }
0x3e: {  	_ =	swait.ge [sflag:s30], $0x4000  }
0x3f: {  	[sflag:s30] =	ssyncset.done $0x0  }
0x40: {  	[sflag:s30] =	ssyncadd.s32 $0xFFFFC000  }
0x41: {  	_ =	swait.ge [sflag:s30], $0x4000  }
0x42: {  	[sflag:s30] =	ssyncset.done $0x0  }
0x43: {  	v3 =	vimm.f32 $0.0e+00;
	v2 =	vimm.f32 $0.0e+00;
	s0 =	simm.s32 $0x0;
	[sflag:s30] =	ssyncadd.s32 $0xFFFFC000  }
.LBB2_2:
0x44: {  	s1 =	sshll.u32 s0, $0x4  }
0x45: {  	s17 =	simm.s32 $0x0;
	v4 =	vmov s1  }
0x46: {  	s19 =	simm.s32 $0x1;
	v6 =	vadd.s32 s17, v0;
	v4 =	vshll.u32 v4, $0x7  }
0x47: {  	v8 =	vadd.s32 s19, v0;
	v7 =	vand.u32 $0x3F, v6;
	v4 =	vor.u32 v1, v4  }
0x48: {  	v8 =	vand.u32 $0x3F, v8;
	v7 =	vor.u32 v4, v7  }
0x49: {  	s20 =	simm.s32 $0x3;
	v5 =	vor.u32 $0x40, v4;
	v9 =	vor.u32 v4, v8  }
0x4a: {  	v10 =	vadd.s32 s20, v0;
	s19 =	simm.s32 $0x2;
	v6 =	vor.u32 v6, v5  }
0x4b: {  	s21 =	simm.s32 $0x4;
	v10 =	vand.u32 $0x3F, v10;
	v12 =	vadd.s32 s19, v0;
	v8 =	vor.u32 v8, v5  }
0x4c: {  	v11 =	vadd.s32 s21, v0;
	v12 =	vand.u32 $0x3F, v12;
	v13 =	vor.u32 v4, v10  }
0x4d: {  	v11 =	vand.u32 $0x3F, v11;
	v15 =	vor.u32 v12, v5;
	v12 =	vor.u32 v4, v12;
	v7 =	vld.idx.msk [tilespmem:v7+s25+$0x0], $0xffff  }
0x4e: {  	v14 =	vor.u32 v4, v11;
	v16 =	vld.idx.msk [tilespmem:v9+s25+$0x0], $0xffff  }
0x4f: {  	s20 =	simm.s32 $0x6;
	s19 =	simm.s32 $0x5;
	v6 =	vld.idx.msk [tilespmem:v6+s26+$0x0], $0xffff  }
0x50: {  	v17 =	vor.u32 v11, v5;
	v11 =	vadd.s32 s20, v0;
	v9 =	vadd.s32 s19, v0;
	v19 =	vld.idx.msk [tilespmem:v8+s26+$0x0], $0xffff  }
0x51: {  	v18 =	vand.u32 $0x3F, v9;
	v8 =	vand.u32 $0x3F, v11;
	v9 =	vld.idx.msk [tilespmem:v13+s25+$0x0], $0xffff  }
0x52: {  	s21 =	simm.s32 $0x7;
	v10 =	vor.u32 v10, v5;
	v12 =	vld.idx.msk [tilespmem:v12+s25+$0x0], $0xffff;
	v21 =	vor.u32 v18, v5;
	v23 =	vor.u32 v8, v5  }
0x53: {  	v11 =	vld.idx.msk [tilespmem:v14+s25+$0x0], $0xffff;
	v24 =	vor.u32 v4, v8;
	v8 =	vadd.s32 s21, v0;
	v13 =	vmul.f32 v7, v7  }
0x54: {  	v14 =	vld.idx.msk [tilespmem:v15+s26+$0x0], $0xffff;
	v18 =	vor.u32 v4, v18;
	v15 =	vmul.f32 v16, v16;
	v20 =	vmul.f32 v6, v6  }
0x55: {  	v22 =	vmul.f32 v6, v7;
	v7 =	vadd.f32 v7, v3;
	v25 =	vmul.f32 v19, v16  }
0x56: {  	v6 =	vadd.f32 v6, v3;
	v27 =	vmul.f32 v9, v9;
	v13 =	vadd.f32 v13, v3  }
0x57: {  	v26 =	vld.idx.msk [tilespmem:v10+s26+$0x0], $0xffff;
	v30 =	vmul.f32 v12, v12;
	v22 =	vadd.f32 v22, v3;
	v10 =	vadd.f32 v20, v3  }
0x58: {  	v20 =	vand.u32 $0x3F, v8;
	v15 =	vadd.f32 v15, v13;
	v13 =	vld.idx.msk [tilespmem:v17+s26+$0x0], $0xffff;
	v17 =	vmul.f32 v19, v19  }
0x59: {  	v8 =	vld.idx.msk [tilespmem:v21+s26+$0x0], $0xffff;
	v7 =	vadd.f32 v16, v7;
	v21 =	vmul.f32 v14, v14;
	v16 =	vmul.f32 v11, v11  }
0x5a: {  	v28 =	vor.u32 v4, v20;
	v29 =	vor.u32 v20, v5;
	v20 =	vadd.f32 v17, v10;
	v10 =	vld.idx.msk [tilespmem:v24+s25+$0x0], $0xffff  }
0x5b: {  	v19 =	vadd.f32 v19, v6;
	v22 =	vadd.f32 v25, v22;
	v24 =	vmul.f32 v14, v12;
	v17 =	vld.idx.msk [tilespmem:v18+s25+$0x0], $0xffff  }
0x5c: {  	v25 =	vmul.f32 v26, v26;
	v15 =	vadd.f32 v30, v15;
	v18 =	vadd.f32 v21, v20  }
0x5d: {  	v6 =	vld.idx.msk [tilespmem:v23+s26+$0x0], $0xffff;
	v23 =	vadd.f32 v12, v7;
	v20 =	vadd.f32 v24, v22;
	v24 =	vmul.f32 v26, v9  }
0x5e: {  	v21 =	vadd.f32 v27, v15;
	v63 =	vmul.f32 v13, v13;
	v15 =	vadd.f32 v25, v18  }
0x5f: {  	v14 =	vadd.f32 v14, v19;
	v22 =	vmul.f32 v8, v8;
	v18 =	vmul.f32 v13, v11  }
0x60: {  	v12 =	vld.idx.msk [tilespmem:v28+s25+$0x0], $0xffff;
	v20 =	vadd.f32 v24, v20;
	v19 =	vmul.f32 v17, v17;
	v25 =	vadd.f32 v63, v15  }
0x61: {  	s17 =	simm.s32 $0xF;
	v7 =	vld.idx.msk [tilespmem:v29+s26+$0x0], $0xffff;
	v24 =	vadd.f32 v26, v14;
	v14 =	vmul.f32 v8, v17;
	v15 =	vmul.f32 v10, v10  }
.LBB2_3:
0x62: {  	s19 =	sadd.s32 $0xFFFFFFF9, s17;
	s20 =	sadd.s32 $0xFFFFFFFA, s17;
	s21 =	sadd.s32 $0xFFFFFFFB, s17;
	v18 =	vadd.f32 v18, v20;
	v20 =	vadd.f32 v22, v25;
	v22 =	vmul.f32 v6, v6  }
0x63: {  	p0 =	sne.s32 s17, $0x3F;
	v9 =	vadd.f32 v9, v23;
	v25 =	vadd.s32 s19, v0;
	v26 =	vadd.s32 s20, v0;
	s19 =	smov.u32 s17;
	s17 =	sadd.s32 $0x8, s17  }
0x64: {  	v16 =	vadd.f32 v16, v21;
	v23 =	vand.u32 $0x3F, v25;
	v25 =	vor.u32 v25, v5  }
0x65: {  	s20 =	sadd.s32 $0xFFFFFFFC, s19;
	v9 =	vadd.f32 v11, v9;
	v21 =	vor.u32 v4, v23;
	v23 =	vand.u32 $0x3F, v26  }
0x66: {  	v13 =	vadd.f32 v13, v24;
	v11 =	vadd.s32 s21, v0;
	v26 =	vadd.s32 s20, v0  }
0x67: {  	v11 =	vand.u32 $0x3F, v11;
	v9 =	vadd.f32 v17, v9;
	v17 =	vmul.f32 v12, v12  }
0x68: {  	v27 =	vmul.f32 v6, v10;
	v24 =	vor.u32 v4, v23;
	v26 =	vand.u32 $0x3F, v26  }
0x69: {  	v29 =	vmul.f32 v7, v12;
	s20 =	sadd.s32 $0xFFFFFFFD, s19;
	v28 =	vor.u32 v4, v26;
	v26 =	vor.u32 v26, v5;
	v25 =	vld.idx.msk [tilespmem:v25+s26+$0x0], $0xffff  }
0x6a: {  	v32 =	vmul.f32 v7, v7;
	v30 =	vor.u32 v11, v5;
	v31 =	vadd.s32 s20, v0  }
0x6b: {  	v16 =	vadd.f32 v19, v16;
	v23 =	vor.u32 v23, v5;
	v31 =	vand.u32 $0x3F, v31;
	v21 =	vld.idx.msk [tilespmem:v21+s25+$0x0], $0xffff  }
0x6c: {  	s21 =	sadd.s32 $0xFFFFFFFF, s19;
	s20 =	sadd.s32 $0xFFFFFFFE, s19;
	v19 =	vor.u32 v4, v31;
	v31 =	vor.u32 v31, v5;
	v9 =	vadd.f32 v10, v9  }
0x6d: {  	v14 =	vadd.f32 v14, v18;
	v33 =	vadd.s32 s21, v0;
	v10 =	vld.idx.msk [tilespmem:v24+s25+$0x0], $0xffff;
	v24 =	vadd.s32 s20, v0  }
0x6e: {  	v12 =	vadd.f32 v12, v9;
	v18 =	vand.u32 $0x3F, v24;
	v24 =	vand.u32 $0x3F, v33  }
0x6f: {  	v20 =	vadd.f32 v22, v20;
	v34 =	vor.u32 v4, v11;
	v33 =	vmul.f32 v25, v25;
	v9 =	vld.idx.msk [tilespmem:v28+s25+$0x0], $0xffff  }
0x70: {  	v15 =	vadd.f32 v15, v16;
	v28 =	vor.u32 v24, v5;
	v22 =	vld.idx.msk [tilespmem:v23+s26+$0x0], $0xffff;
	v23 =	vor.u32 v18, v5  }
0x71: {  	v8 =	vadd.f32 v8, v13;
	v13 =	vadd.f32 v27, v14;
	v16 =	vmul.f32 v25, v21;
	v11 =	vld.idx.msk [tilespmem:v19+s25+$0x0], $0xffff  }
0x72: {  	v15 =	vadd.f32 v17, v15;
	v12 =	vadd.f32 v21, v12;
	v14 =	vmul.f32 v21, v21;
	v19 =	vld.idx.msk [tilespmem:v30+s26+$0x0], $0xffff  }
0x73: {  	v6 =	vadd.f32 v6, v8;
	v8 =	vadd.f32 v29, v13;
	v17 =	vmul.f32 v10, v10  }
0x74: {  	v20 =	vadd.f32 v32, v20;
	v13 =	vadd.f32 v14, v15;
	v15 =	vor.u32 v4, v24;
	v14 =	vld.idx.msk [tilespmem:v34+s25+$0x0], $0xffff  }
0x75: {  	v6 =	vadd.f32 v7, v6;
	v21 =	vadd.f32 v16, v8;
	v8 =	vadd.s32 s19, v0;
	v24 =	vld.idx.msk [tilespmem:v26+s26+$0x0], $0xffff  }
0x76: {  	v18 =	vor.u32 v4, v18;
	v7 =	vadd.f32 v17, v13;
	v17 =	vmul.f32 v22, v10;
	v13 =	vld.idx.msk [tilespmem:v31+s26+$0x0], $0xffff  }
0x77: {  	v16 =	vadd.f32 v33, v20;
	v20 =	vmul.f32 v22, v22;
	v26 =	vand.u32 $0x3F, v8  }
0x78: {  	v25 =	vadd.f32 v25, v6;
	v27 =	vmul.f32 v9, v9;
	v8 =	vld.idx.msk [tilespmem:v23+s26+$0x0], $0xffff;
	v23 =	vor.u32 v4, v26  }
0x79: {  	v29 =	vadd.f32 v10, v12;
	v6 =	vmul.f32 v19, v19;
	v26 =	vor.u32 v26, v5  }
0x7a: {  	v12 =	vadd.f32 v20, v16;
	v16 =	vmul.f32 v11, v11;
	v20 =	vmul.f32 v14, v14;
	v10 =	vld.idx.msk [tilespmem:v15+s25+$0x0], $0xffff  }
0x7b: {  	v15 =	vadd.f32 v17, v21;
	v21 =	vmul.f32 v19, v14;
	v30 =	vmul.f32 v24, v24;
	v17 =	vld.idx.msk [tilespmem:v18+s25+$0x0], $0xffff  }
0x7c: {  	v7 =	vadd.f32 v20, v7;
	v18 =	vadd.f32 v6, v12;
	v31 =	vmul.f32 v13, v13;
	v6 =	vld.idx.msk [tilespmem:v28+s26+$0x0], $0xffff  }
.Ltmp0:
0x7d: {  	v20 =	vadd.f32 v22, v25;
	v25 =	vmul.f32 v24, v9;
	v15 =	vadd.f32 v21, v15;
	v12 =	vld.idx.msk [tilespmem:v23+s25+$0x0], $0xffff;
	(pc) =	sbr.rel @p0 .LBB2_3-.Ltmp0, $4  }
0x7e: {  	v21 =	vadd.f32 v27, v7;
	v27 =	vadd.f32 v30, v18;
	v22 =	vmul.f32 v8, v8;
	v7 =	vld.idx.msk [tilespmem:v26+s26+$0x0], $0xffff  }
0x7f: {  	v23 =	vadd.f32 v14, v29;
	v14 =	vadd.f32 v19, v20;
	v18 =	vmul.f32 v13, v11  }
0x80: {  	v20 =	vadd.f32 v25, v15;
	v25 =	vadd.f32 v31, v27;
	v15 =	vmul.f32 v10, v10  }
0x81: {  	v24 =	vadd.f32 v24, v14;
	v19 =	vmul.f32 v17, v17;
	v14 =	vmul.f32 v8, v17  }
0x82: {  	v4 =	vadd.f32 v9, v23;
	_ =	sdelay $0x1  }
0x83: {  	v5 =	vadd.f32 v13, v24;
	v4 =	vadd.f32 v11, v4;
	_ =	sdelay $0x1  }
0x84: {  	v5 =	vadd.f32 v8, v5;
	v4 =	vadd.f32 v17, v4  }
0x85: {  	v47 =	vadd.f32 v16, v21  }
0x86: {  	v5 =	vadd.f32 v6, v5;
	v4 =	vadd.f32 v10, v4  }
0x87: {  	v48 =	vadd.f32 v22, v25;
	v49 =	vmul.f32 v6, v6;
	v8 =	vadd.f32 v19, v47  }
0x88: {  	v5 =	vadd.f32 v7, v5;
	v4 =	vadd.f32 v12, v4  }
0x89: {  	v50 =	vmul.f32 v12, v12;
	v51 =	vmul.f32 v7, v7;
	v9 =	vadd.f32 v49, v48  }
0x8a: {  	v8 =	vadd.f32 v15, v8;
	v53 =	vmul.f32 v5, v5;
	v52 =	vmul.f32 v4, v4  }
0x8b: {  	v9 =	vadd.f32 v51, v9  }
0x8c: {  	v8 =	vadd.f32 v50, v8;
	v54 =	vmul.f32 $1.562500000e-02, v53;
	v11 =	vmul.f32 $1.562500000e-02, v52;
	_ =	sdelay $0x1  }
0x8d: {  	v9 =	vsub.f32 v9, v54;
	v8 =	vsub.f32 v8, v11;
	_ =	sdelay $0x1  }
0x8e: {  	v9 =	vmax.f32 v9, $1.000000020e-24;
	v8 =	vmax.f32 v8, $1.000000020e-24  }
0x8f: {  	v8 =	vmul.f32 v9, v8;
	_ =	sdelay $0x1  }
0x90: {  	v8 =	vmax.f32 v8, $1.000000000e-30  }
0x91: {  	v55 =	vshra.s32 v8, $0x1;
	v8 =	vmul.f32 $5.000000000e-01, v8  }
0x92: {  	v9 =	vsub.s32 $0x5F3759DF, v55  }
0x93: {  	v56 =	vmul.f32 v9, v8;
	_ =	sdelay $0x1  }
0x94: {  	v11 =	vmul.f32 v9, v56;
	_ =	sdelay $0x1  }
0x95: {  	v11 =	vsub.f32 $1.500000000e+00, v11;
	_ =	sdelay $0x1  }
0x96: {  	v9 =	vmul.f32 v9, v11;
	_ =	sdelay $0x1  }
0x97: {  	v11 =	vmul.f32 v9, v8;
	_ =	sdelay $0x1  }
0x98: {  	v11 =	vmul.f32 v11, v9;
	_ =	sdelay $0x1  }
0x99: {  	v11 =	vsub.f32 $1.500000000e+00, v11;
	_ =	sdelay $0x1  }
0x9a: {  	v57 =	vadd.f32 v18, v20;
	v9 =	vmul.f32 v11, v9;
	_ =	sdelay $0x1  }
0x9b: {  	v58 =	vmul.f32 v6, v10;
	v59 =	vadd.f32 v14, v57;
	v8 =	vmul.f32 v9, v8  }
0x9c: {  	v61 =	vld [tilespmem:s1+$0x10400];
	v60 =	vmul.f32 v7, v12  }
0x9d: {  	v6 =	vadd.f32 v58, v59;
	v4 =	vmul.f32 v5, v4;
	v5 =	vmul.f32 v8, v9;
	_ =	sdelay $0x1  }
0x9e: {  	v6 =	vadd.f32 v60, v6;
	v4 =	vmul.f32 $1.562500000e-02, v4;
	v5 =	vsub.f32 $1.500000000e+00, v5;
	_ =	sdelay $0x1  }
0x9f: {  	v62 =	vadd.f32 $-1.000000000e+00, v61;
	v4 =	vsub.f32 v6, v4;
	v5 =	vmul.f32 v5, v9;
	_ =	sdelay $0x1  }
0xa0: {  	s0 =	sadd.s32 $0x1, s0;
	v4 =	vmul.f32 v5, v4;
	v5 =	vmul.f32 $-2.500000000e-01, v62  }
0xa1: {  	p0 =	sne.s32 s0, $0x8  }
.Ltmp1:
0xa2: {  	v63 =	vmul.f32 $4.000000000e+00, v4;
	v4 =	vadd.f32 v5, v4;
	(pc) =	sbr.rel @p0 .LBB2_2-.Ltmp1, $3  }
0xa3: {  	_ = 	snop  }
0xa4: {  	v5 =	vadd.f32 $1.000000000e+00, v63;
	v4 =	vmul.f32 v4, v4;
	_ =	sdelay $0x1  }
0xa5: {  	[tilespmem:s1+$0x10600] =	vst v5;
	v2 =	vadd.f32 v4, v2  }
0xa6: {  	s0 =	simm.s32 $0x100  }
0xa7: {  	[tilespmem:s25], [sflag:$0x1] =	stream.indirect.gather [hbm4b:s3+s18], $0x80, s0, s18, $0xb8;
	[tilespmem:$0x10880] =	vst v63  }
0xa8: {  	s21 =	simm.s32 $0x300  }
0xa9: {  	[tilespmem:s26], [sflag:$0x1] =	stream.indirect.gather [hbm4b:s3+s18], $0x80, s21, s18, $0xb8;
	[tilespmem:$0x10880] =	vst v63  }
0xaa: {  	_ =	swait.ge [sflag:s31], $0x4000  }
0xab: {  	[sflag:s31] =	ssyncset.done $0x0  }
0xac: {  	[sflag:s31] =	ssyncadd.s32 $0xFFFFC000  }
0xad: {  	_ =	swait.ge [sflag:s31], $0x4000  }
0xae: {  	[sflag:s31] =	ssyncset.done $0x0  }
0xaf: {  	s0 =	simm.s32 $0x0;
	[sflag:s31] =	ssyncadd.s32 $0xFFFFC000  }
.LBB2_6:
0xb0: {  	s1 =	sshll.u32 s0, $0x4  }
0xb1: {  	s1 =	sadd.s32 $0x80, s1  }
0xb2: {  	s17 =	simm.s32 $0x0;
	v3 =	vmov s1  }
0xb3: {  	s19 =	simm.s32 $0x1;
	v5 =	vadd.s32 s17, v0;
	v3 =	vshll.u32 v3, $0x7  }
0xb4: {  	v7 =	vadd.s32 s19, v0;
	v6 =	vand.u32 $0x3F, v5;
	v3 =	vor.u32 v1, v3  }
0xb5: {  	v7 =	vand.u32 $0x3F, v7;
	v6 =	vor.u32 v3, v6  }
0xb6: {  	s20 =	simm.s32 $0x3;
	v4 =	vor.u32 $0x40, v3;
	v8 =	vor.u32 v3, v7  }
0xb7: {  	s21 =	simm.s32 $0x4;
	v9 =	vadd.s32 s20, v0;
	v5 =	vor.u32 v5, v4  }
0xb8: {  	s19 =	simm.s32 $0x2;
	v10 =	vadd.s32 s21, v0;
	v9 =	vand.u32 $0x3F, v9;
	v7 =	vor.u32 v7, v4  }
0xb9: {  	v11 =	vadd.s32 s19, v0;
	v10 =	vand.u32 $0x3F, v10;
	v12 =	vor.u32 v3, v9  }
0xba: {  	v11 =	vand.u32 $0x3F, v11;
	v13 =	vor.u32 v3, v10;
	v6 =	vld.idx.msk [tilespmem:v6+s25+$0x0], $0xffff  }
0xbb: {  	v15 =	vor.u32 v11, v4;
	v16 =	vld.idx.msk [tilespmem:v8+s25+$0x0], $0xffff  }
0xbc: {  	s19 =	simm.s32 $0x5;
	v11 =	vor.u32 v3, v11;
	v5 =	vld.idx.msk [tilespmem:v5+s26+$0x0], $0xffff  }
0xbd: {  	v14 =	vimm.f32 $0.0e+00;
	s20 =	simm.s32 $0x6;
	v9 =	vor.u32 v9, v4;
	v8 =	vadd.s32 s19, v0;
	v19 =	vld.idx.msk [tilespmem:v7+s26+$0x0], $0xffff  }
0xbe: {  	v17 =	vor.u32 v10, v4;
	v10 =	vadd.s32 s20, v0;
	v18 =	vand.u32 $0x3F, v8;
	v8 =	vld.idx.msk [tilespmem:v12+s25+$0x0], $0xffff  }
0xbf: {  	v7 =	vand.u32 $0x3F, v10;
	v10 =	vld.idx.msk [tilespmem:v13+s25+$0x0], $0xffff;
	v21 =	vor.u32 v18, v4;
	v18 =	vor.u32 v3, v18  }
0xc0: {  	s21 =	simm.s32 $0x7;
	v13 =	vld.idx.msk [tilespmem:v15+s26+$0x0], $0xffff;
	v22 =	vor.u32 v7, v4;
	v24 =	vor.u32 v3, v7;
	v12 =	vmul.f32 v6, v6  }
0xc1: {  	v11 =	vld.idx.msk [tilespmem:v11+s25+$0x0], $0xffff;
	v7 =	vadd.s32 s21, v0;
	v15 =	vmul.f32 v16, v16;
	v23 =	vmul.f32 v5, v6  }
0xc2: {  	v20 =	vmul.f32 v5, v5;
	v6 =	vadd.f32 v6, v14;
	v5 =	vadd.f32 v5, v14  }
0xc3: {  	v25 =	vld.idx.msk [tilespmem:v9+s26+$0x0], $0xffff;
	v27 =	vmul.f32 v19, v16;
	v12 =	vadd.f32 v12, v14;
	v23 =	vadd.f32 v23, v14  }
0xc4: {  	v9 =	vadd.f32 v20, v14;
	v14 =	vmul.f32 v8, v8;
	v6 =	vadd.f32 v16, v6;
	v16 =	vld.idx.msk [tilespmem:v18+s25+$0x0], $0xffff  }
0xc5: {  	v20 =	vmul.f32 v13, v13;
	v26 =	vadd.f32 v15, v12;
	v12 =	vld.idx.msk [tilespmem:v17+s26+$0x0], $0xffff;
	v15 =	vmul.f32 v19, v19  }
0xc6: {  	v17 =	vand.u32 $0x3F, v7;
	v7 =	vld.idx.msk [tilespmem:v21+s26+$0x0], $0xffff;
	v21 =	vmul.f32 v11, v11;
	v19 =	vadd.f32 v19, v5  }
0xc7: {  	v5 =	vld.idx.msk [tilespmem:v22+s26+$0x0], $0xffff;
	v28 =	vor.u32 v3, v17;
	v29 =	vor.u32 v17, v4;
	v17 =	vadd.f32 v15, v9  }
0xc8: {  	v23 =	vadd.f32 v27, v23;
	v22 =	vadd.f32 v11, v6;
	v9 =	vld.idx.msk [tilespmem:v24+s25+$0x0], $0xffff;
	v24 =	vmul.f32 v13, v11  }
0xc9: {  	v27 =	vmul.f32 v25, v25;
	v18 =	vadd.f32 v21, v26;
	v17 =	vadd.f32 v20, v17  }
0xca: {  	v15 =	vmul.f32 v10, v10;
	v23 =	vadd.f32 v24, v23;
	v24 =	vmul.f32 v25, v8  }
0xcb: {  	v20 =	vadd.f32 v14, v18;
	v26 =	vmul.f32 v12, v12;
	v14 =	vadd.f32 v27, v17  }
0xcc: {  	v13 =	vadd.f32 v13, v19;
	v18 =	vmul.f32 v16, v16;
	v21 =	vmul.f32 v7, v7  }
0xcd: {  	v17 =	vmul.f32 v12, v10;
	v11 =	vld.idx.msk [tilespmem:v28+s25+$0x0], $0xffff;
	v19 =	vadd.f32 v24, v23;
	v24 =	vadd.f32 v26, v14  }
0xce: {  	s17 =	simm.s32 $0xF;
	v6 =	vld.idx.msk [tilespmem:v29+s26+$0x0], $0xffff;
	v23 =	vadd.f32 v25, v13;
	v13 =	vmul.f32 v7, v16;
	v14 =	vmul.f32 v9, v9  }
.LBB2_7:
0xcf: {  	s19 =	sadd.s32 $0xFFFFFFF9, s17;
	s20 =	sadd.s32 $0xFFFFFFFA, s17;
	s21 =	sadd.s32 $0xFFFFFFFB, s17;
	v17 =	vadd.f32 v17, v19;
	v19 =	vadd.f32 v21, v24;
	v21 =	vmul.f32 v5, v5  }
0xd0: {  	p0 =	sne.s32 s17, $0x3F;
	v8 =	vadd.f32 v8, v22;
	v24 =	vadd.s32 s19, v0;
	v25 =	vadd.s32 s20, v0;
	s19 =	smov.u32 s17;
	s17 =	sadd.s32 $0x8, s17  }
0xd1: {  	v15 =	vadd.f32 v15, v20;
	v22 =	vand.u32 $0x3F, v24;
	v24 =	vor.u32 v24, v4  }
0xd2: {  	s20 =	sadd.s32 $0xFFFFFFFC, s19;
	v8 =	vadd.f32 v10, v8;
	v20 =	vor.u32 v3, v22;
	v22 =	vand.u32 $0x3F, v25  }
0xd3: {  	v12 =	vadd.f32 v12, v23;
	v10 =	vadd.s32 s21, v0;
	v25 =	vadd.s32 s20, v0  }
0xd4: {  	v10 =	vand.u32 $0x3F, v10;
	v8 =	vadd.f32 v16, v8;
	v16 =	vmul.f32 v11, v11  }
0xd5: {  	v26 =	vmul.f32 v5, v9;
	v23 =	vor.u32 v3, v22;
	v25 =	vand.u32 $0x3F, v25  }
0xd6: {  	v28 =	vmul.f32 v6, v11;
	s20 =	sadd.s32 $0xFFFFFFFD, s19;
	v27 =	vor.u32 v3, v25;
	v25 =	vor.u32 v25, v4;
	v24 =	vld.idx.msk [tilespmem:v24+s26+$0x0], $0xffff  }
0xd7: {  	v31 =	vmul.f32 v6, v6;
	v29 =	vor.u32 v10, v4;
	v30 =	vadd.s32 s20, v0  }
0xd8: {  	v15 =	vadd.f32 v18, v15;
	v22 =	vor.u32 v22, v4;
	v30 =	vand.u32 $0x3F, v30;
	v20 =	vld.idx.msk [tilespmem:v20+s25+$0x0], $0xffff  }
0xd9: {  	s21 =	sadd.s32 $0xFFFFFFFF, s19;
	s20 =	sadd.s32 $0xFFFFFFFE, s19;
	v18 =	vor.u32 v3, v30;
	v30 =	vor.u32 v30, v4;
	v8 =	vadd.f32 v9, v8  }
0xda: {  	v13 =	vadd.f32 v13, v17;
	v32 =	vadd.s32 s21, v0;
	v9 =	vld.idx.msk [tilespmem:v23+s25+$0x0], $0xffff;
	v23 =	vadd.s32 s20, v0  }
0xdb: {  	v11 =	vadd.f32 v11, v8;
	v17 =	vand.u32 $0x3F, v23;
	v23 =	vand.u32 $0x3F, v32  }
0xdc: {  	v19 =	vadd.f32 v21, v19;
	v33 =	vor.u32 v3, v10;
	v32 =	vmul.f32 v24, v24;
	v8 =	vld.idx.msk [tilespmem:v27+s25+$0x0], $0xffff  }
0xdd: {  	v14 =	vadd.f32 v14, v15;
	v27 =	vor.u32 v23, v4;
	v21 =	vld.idx.msk [tilespmem:v22+s26+$0x0], $0xffff;
	v22 =	vor.u32 v17, v4  }
0xde: {  	v7 =	vadd.f32 v7, v12;
	v12 =	vadd.f32 v26, v13;
	v15 =	vmul.f32 v24, v20;
	v10 =	vld.idx.msk [tilespmem:v18+s25+$0x0], $0xffff  }
0xdf: {  	v14 =	vadd.f32 v16, v14;
	v11 =	vadd.f32 v20, v11;
	v13 =	vmul.f32 v20, v20;
	v18 =	vld.idx.msk [tilespmem:v29+s26+$0x0], $0xffff  }
0xe0: {  	v5 =	vadd.f32 v5, v7;
	v7 =	vadd.f32 v28, v12;
	v16 =	vmul.f32 v9, v9  }
0xe1: {  	v19 =	vadd.f32 v31, v19;
	v12 =	vadd.f32 v13, v14;
	v14 =	vor.u32 v3, v23;
	v13 =	vld.idx.msk [tilespmem:v33+s25+$0x0], $0xffff  }
0xe2: {  	v5 =	vadd.f32 v6, v5;
	v20 =	vadd.f32 v15, v7;
	v7 =	vadd.s32 s19, v0;
	v23 =	vld.idx.msk [tilespmem:v25+s26+$0x0], $0xffff  }
0xe3: {  	v17 =	vor.u32 v3, v17;
	v6 =	vadd.f32 v16, v12;
	v16 =	vmul.f32 v21, v9;
	v12 =	vld.idx.msk [tilespmem:v30+s26+$0x0], $0xffff  }
0xe4: {  	v15 =	vadd.f32 v32, v19;
	v19 =	vmul.f32 v21, v21;
	v25 =	vand.u32 $0x3F, v7  }
0xe5: {  	v24 =	vadd.f32 v24, v5;
	v26 =	vmul.f32 v8, v8;
	v7 =	vld.idx.msk [tilespmem:v22+s26+$0x0], $0xffff;
	v22 =	vor.u32 v3, v25  }
0xe6: {  	v28 =	vadd.f32 v9, v11;
	v5 =	vmul.f32 v18, v18;
	v25 =	vor.u32 v25, v4  }
0xe7: {  	v11 =	vadd.f32 v19, v15;
	v15 =	vmul.f32 v10, v10;
	v19 =	vmul.f32 v13, v13;
	v9 =	vld.idx.msk [tilespmem:v14+s25+$0x0], $0xffff  }
0xe8: {  	v14 =	vadd.f32 v16, v20;
	v20 =	vmul.f32 v18, v13;
	v29 =	vmul.f32 v23, v23;
	v16 =	vld.idx.msk [tilespmem:v17+s25+$0x0], $0xffff  }
0xe9: {  	v6 =	vadd.f32 v19, v6;
	v17 =	vadd.f32 v5, v11;
	v30 =	vmul.f32 v12, v12;
	v5 =	vld.idx.msk [tilespmem:v27+s26+$0x0], $0xffff  }
.Ltmp2:
0xea: {  	v19 =	vadd.f32 v21, v24;
	v24 =	vmul.f32 v23, v8;
	v14 =	vadd.f32 v20, v14;
	v11 =	vld.idx.msk [tilespmem:v22+s25+$0x0], $0xffff;
	(pc) =	sbr.rel @p0 .LBB2_7-.Ltmp2, $4  }
0xeb: {  	v20 =	vadd.f32 v26, v6;
	v26 =	vadd.f32 v29, v17;
	v21 =	vmul.f32 v7, v7;
	v6 =	vld.idx.msk [tilespmem:v25+s26+$0x0], $0xffff  }
0xec: {  	v22 =	vadd.f32 v13, v28;
	v13 =	vadd.f32 v18, v19;
	v17 =	vmul.f32 v12, v10  }
0xed: {  	v19 =	vadd.f32 v24, v14;
	v24 =	vadd.f32 v30, v26;
	v14 =	vmul.f32 v9, v9  }
0xee: {  	v23 =	vadd.f32 v23, v13;
	v18 =	vmul.f32 v16, v16;
	v13 =	vmul.f32 v7, v16  }
0xef: {  	v3 =	vadd.f32 v8, v22;
	_ =	sdelay $0x1  }
0xf0: {  	v4 =	vadd.f32 v12, v23;
	v3 =	vadd.f32 v10, v3;
	_ =	sdelay $0x1  }
0xf1: {  	v4 =	vadd.f32 v7, v4;
	v3 =	vadd.f32 v16, v3  }
0xf2: {  	v44 =	vadd.f32 v15, v20  }
0xf3: {  	v4 =	vadd.f32 v5, v4;
	v3 =	vadd.f32 v9, v3  }
0xf4: {  	v45 =	vadd.f32 v21, v24;
	v46 =	vmul.f32 v5, v5;
	v7 =	vadd.f32 v18, v44  }
0xf5: {  	v4 =	vadd.f32 v6, v4;
	v3 =	vadd.f32 v11, v3  }
0xf6: {  	v47 =	vmul.f32 v11, v11;
	v48 =	vmul.f32 v6, v6;
	v8 =	vadd.f32 v46, v45  }
0xf7: {  	v7 =	vadd.f32 v14, v7;
	v50 =	vmul.f32 v4, v4;
	v49 =	vmul.f32 v3, v3  }
0xf8: {  	v8 =	vadd.f32 v48, v8  }
0xf9: {  	v7 =	vadd.f32 v47, v7;
	v51 =	vmul.f32 $1.562500000e-02, v50;
	v10 =	vmul.f32 $1.562500000e-02, v49;
	_ =	sdelay $0x1  }
0xfa: {  	v8 =	vsub.f32 v8, v51;
	v7 =	vsub.f32 v7, v10;
	_ =	sdelay $0x1  }
0xfb: {  	v8 =	vmax.f32 v8, $1.000000020e-24;
	v7 =	vmax.f32 v7, $1.000000020e-24  }
0xfc: {  	v7 =	vmul.f32 v8, v7;
	_ =	sdelay $0x1  }
0xfd: {  	v7 =	vmax.f32 v7, $1.000000000e-30  }
0xfe: {  	v52 =	vshra.s32 v7, $0x1;
	v7 =	vmul.f32 $5.000000000e-01, v7  }
0xff: {  	v8 =	vsub.s32 $0x5F3759DF, v52  }
0x100: {  	v53 =	vmul.f32 v8, v7;
	_ =	sdelay $0x1  }
0x101: {  	v10 =	vmul.f32 v8, v53;
	_ =	sdelay $0x1  }
0x102: {  	v10 =	vsub.f32 $1.500000000e+00, v10;
	_ =	sdelay $0x1  }
0x103: {  	v8 =	vmul.f32 v8, v10;
	_ =	sdelay $0x1  }
0x104: {  	v10 =	vmul.f32 v8, v7;
	_ =	sdelay $0x1  }
0x105: {  	v10 =	vmul.f32 v10, v8;
	_ =	sdelay $0x1  }
0x106: {  	v10 =	vsub.f32 $1.500000000e+00, v10;
	_ =	sdelay $0x1  }
0x107: {  	v54 =	vadd.f32 v17, v19;
	v8 =	vmul.f32 v10, v8;
	_ =	sdelay $0x1  }
0x108: {  	v55 =	vmul.f32 v5, v9;
	v56 =	vadd.f32 v13, v54;
	v7 =	vmul.f32 v8, v7  }
0x109: {  	v58 =	vld [tilespmem:s1+$0x10400];
	v57 =	vmul.f32 v6, v11  }
0x10a: {  	v5 =	vadd.f32 v55, v56;
	v3 =	vmul.f32 v4, v3;
	v59 =	vmul.f32 v7, v8;
	_ =	sdelay $0x1  }
0x10b: {  	v5 =	vadd.f32 v57, v5;
	v3 =	vmul.f32 $1.562500000e-02, v3;
	v4 =	vsub.f32 $1.500000000e+00, v59;
	_ =	sdelay $0x1  }
0x10c: {  	v60 =	vadd.f32 $-1.000000000e+00, v58;
	v3 =	vsub.f32 v5, v3;
	v4 =	vmul.f32 v4, v8;
	_ =	sdelay $0x1  }
0x10d: {  	s0 =	sadd.s32 $0x1, s0;
	v61 =	vmul.f32 $-2.500000000e-01, v60;
	v3 =	vmul.f32 v4, v3  }
0x10e: {  	p0 =	sne.s32 s0, $0x8  }
.Ltmp3:
0x10f: {  	v62 =	vmul.f32 $4.000000000e+00, v3;
	v3 =	vadd.f32 v61, v3;
	(pc) =	sbr.rel @p0 .LBB2_6-.Ltmp3, $3  }
0x110: {  	_ = 	snop  }
0x111: {  	v63 =	vadd.f32 $1.000000000e+00, v62;
	v3 =	vmul.f32 v3, v3;
	_ =	sdelay $0x1  }
0x112: {  	[tilespmem:s1+$0x10600] =	vst v63;
	v2 =	vadd.f32 v3, v2  }
0x113: {  	[tilespmem:s28], [sflag:$0x2] =	stream.indirect.gather [hbm4b:s3+s18], $0x80, s22, s18, $0xb8;
	[tilespmem:$0x10880] =	vst v63  }
0x114: {  	_ = 	snop  }
0x115: {  	[tilespmem:s29], [sflag:$0x2] =	stream.indirect.gather [hbm4b:s3+s18], $0x80, s23, s18, $0xb8;
	[tilespmem:$0x10880] =	vst v63  }
0x116: {  	_ =	swait.ge [sflag:s30], $0x4000  }
0x117: {  	[sflag:s30] =	ssyncset.done $0x0  }
0x118: {  	[sflag:s30] =	ssyncadd.s32 $0xFFFFC000  }
0x119: {  	_ =	swait.ge [sflag:s30], $0x4000  }
0x11a: {  	[sflag:s30] =	ssyncset.done $0x0  }
0x11b: {  	s0 =	simm.s32 $0x0;
	[sflag:s30] =	ssyncadd.s32 $0xFFFFC000  }
.LBB2_10:
0x11c: {  	s1 =	sshll.u32 s0, $0x4  }
0x11d: {  	s17 =	simm.s32 $0x0;
	v3 =	vmov s1  }
0x11e: {  	s19 =	simm.s32 $0x1;
	v5 =	vadd.s32 s17, v0;
	v3 =	vshll.u32 v3, $0x7  }
0x11f: {  	v7 =	vadd.s32 s19, v0;
	v6 =	vand.u32 $0x3F, v5;
	v3 =	vor.u32 v1, v3  }
0x120: {  	v7 =	vand.u32 $0x3F, v7;
	v6 =	vor.u32 v3, v6  }
0x121: {  	s20 =	simm.s32 $0x3;
	v4 =	vor.u32 $0x40, v3;
	v8 =	vor.u32 v3, v7  }
0x122: {  	s21 =	simm.s32 $0x4;
	v9 =	vadd.s32 s20, v0;
	v5 =	vor.u32 v5, v4  }
0x123: {  	s19 =	simm.s32 $0x2;
	v10 =	vadd.s32 s21, v0;
	v9 =	vand.u32 $0x3F, v9;
	v7 =	vor.u32 v7, v4  }
0x124: {  	v11 =	vadd.s32 s19, v0;
	v10 =	vand.u32 $0x3F, v10;
	v12 =	vor.u32 v3, v9  }
0x125: {  	v11 =	vand.u32 $0x3F, v11;
	v13 =	vor.u32 v3, v10;
	v6 =	vld.idx.msk [tilespmem:v6+s25+$0x0], $0xffff  }
0x126: {  	v15 =	vor.u32 v11, v4;
	v16 =	vld.idx.msk [tilespmem:v8+s25+$0x0], $0xffff  }
0x127: {  	s19 =	simm.s32 $0x5;
	v11 =	vor.u32 v3, v11;
	v5 =	vld.idx.msk [tilespmem:v5+s26+$0x0], $0xffff  }
0x128: {  	v14 =	vimm.f32 $0.0e+00;
	s20 =	simm.s32 $0x6;
	v9 =	vor.u32 v9, v4;
	v8 =	vadd.s32 s19, v0;
	v19 =	vld.idx.msk [tilespmem:v7+s26+$0x0], $0xffff  }
0x129: {  	v17 =	vor.u32 v10, v4;
	v10 =	vadd.s32 s20, v0;
	v18 =	vand.u32 $0x3F, v8;
	v8 =	vld.idx.msk [tilespmem:v12+s25+$0x0], $0xffff  }
0x12a: {  	v7 =	vand.u32 $0x3F, v10;
	v10 =	vld.idx.msk [tilespmem:v13+s25+$0x0], $0xffff;
	v21 =	vor.u32 v18, v4;
	v18 =	vor.u32 v3, v18  }
0x12b: {  	s21 =	simm.s32 $0x7;
	v13 =	vld.idx.msk [tilespmem:v15+s26+$0x0], $0xffff;
	v22 =	vor.u32 v7, v4;
	v24 =	vor.u32 v3, v7;
	v12 =	vmul.f32 v6, v6  }
0x12c: {  	v11 =	vld.idx.msk [tilespmem:v11+s25+$0x0], $0xffff;
	v7 =	vadd.s32 s21, v0;
	v15 =	vmul.f32 v16, v16;
	v23 =	vmul.f32 v5, v6  }
0x12d: {  	v20 =	vmul.f32 v5, v5;
	v6 =	vadd.f32 v6, v14;
	v5 =	vadd.f32 v5, v14  }
0x12e: {  	v25 =	vld.idx.msk [tilespmem:v9+s26+$0x0], $0xffff;
	v27 =	vmul.f32 v19, v16;
	v12 =	vadd.f32 v12, v14;
	v23 =	vadd.f32 v23, v14  }
0x12f: {  	v9 =	vadd.f32 v20, v14;
	v14 =	vmul.f32 v8, v8;
	v6 =	vadd.f32 v16, v6;
	v16 =	vld.idx.msk [tilespmem:v18+s25+$0x0], $0xffff  }
0x130: {  	v20 =	vmul.f32 v13, v13;
	v26 =	vadd.f32 v15, v12;
	v12 =	vld.idx.msk [tilespmem:v17+s26+$0x0], $0xffff;
	v15 =	vmul.f32 v19, v19  }
0x131: {  	v17 =	vand.u32 $0x3F, v7;
	v7 =	vld.idx.msk [tilespmem:v21+s26+$0x0], $0xffff;
	v21 =	vmul.f32 v11, v11;
	v19 =	vadd.f32 v19, v5  }
0x132: {  	v5 =	vld.idx.msk [tilespmem:v22+s26+$0x0], $0xffff;
	v28 =	vor.u32 v3, v17;
	v29 =	vor.u32 v17, v4;
	v17 =	vadd.f32 v15, v9  }
0x133: {  	v23 =	vadd.f32 v27, v23;
	v22 =	vadd.f32 v11, v6;
	v9 =	vld.idx.msk [tilespmem:v24+s25+$0x0], $0xffff;
	v24 =	vmul.f32 v13, v11  }
0x134: {  	v27 =	vmul.f32 v25, v25;
	v18 =	vadd.f32 v21, v26;
	v17 =	vadd.f32 v20, v17  }
0x135: {  	v15 =	vmul.f32 v10, v10;
	v23 =	vadd.f32 v24, v23;
	v24 =	vmul.f32 v25, v8  }
0x136: {  	v20 =	vadd.f32 v14, v18;
	v26 =	vmul.f32 v12, v12;
	v14 =	vadd.f32 v27, v17  }
0x137: {  	v13 =	vadd.f32 v13, v19;
	v18 =	vmul.f32 v16, v16;
	v21 =	vmul.f32 v7, v7  }
0x138: {  	v17 =	vmul.f32 v12, v10;
	v11 =	vld.idx.msk [tilespmem:v28+s25+$0x0], $0xffff;
	v19 =	vadd.f32 v24, v23;
	v24 =	vadd.f32 v26, v14  }
0x139: {  	s17 =	simm.s32 $0xF;
	v6 =	vld.idx.msk [tilespmem:v29+s26+$0x0], $0xffff;
	v23 =	vadd.f32 v25, v13;
	v13 =	vmul.f32 v7, v16;
	v14 =	vmul.f32 v9, v9  }
.LBB2_11:
0x13a: {  	s19 =	sadd.s32 $0xFFFFFFF9, s17;
	s20 =	sadd.s32 $0xFFFFFFFA, s17;
	s21 =	sadd.s32 $0xFFFFFFFB, s17;
	v17 =	vadd.f32 v17, v19;
	v19 =	vadd.f32 v21, v24;
	v21 =	vmul.f32 v5, v5  }
0x13b: {  	p0 =	sne.s32 s17, $0x3F;
	v8 =	vadd.f32 v8, v22;
	v24 =	vadd.s32 s19, v0;
	v25 =	vadd.s32 s20, v0;
	s19 =	smov.u32 s17;
	s17 =	sadd.s32 $0x8, s17  }
0x13c: {  	v15 =	vadd.f32 v15, v20;
	v22 =	vand.u32 $0x3F, v24;
	v24 =	vor.u32 v24, v4  }
0x13d: {  	s20 =	sadd.s32 $0xFFFFFFFC, s19;
	v8 =	vadd.f32 v10, v8;
	v20 =	vor.u32 v3, v22;
	v22 =	vand.u32 $0x3F, v25  }
0x13e: {  	v12 =	vadd.f32 v12, v23;
	v10 =	vadd.s32 s21, v0;
	v25 =	vadd.s32 s20, v0  }
0x13f: {  	v10 =	vand.u32 $0x3F, v10;
	v8 =	vadd.f32 v16, v8;
	v16 =	vmul.f32 v11, v11  }
0x140: {  	v26 =	vmul.f32 v5, v9;
	v23 =	vor.u32 v3, v22;
	v25 =	vand.u32 $0x3F, v25  }
0x141: {  	v28 =	vmul.f32 v6, v11;
	s20 =	sadd.s32 $0xFFFFFFFD, s19;
	v27 =	vor.u32 v3, v25;
	v25 =	vor.u32 v25, v4;
	v24 =	vld.idx.msk [tilespmem:v24+s26+$0x0], $0xffff  }
0x142: {  	v31 =	vmul.f32 v6, v6;
	v29 =	vor.u32 v10, v4;
	v30 =	vadd.s32 s20, v0  }
0x143: {  	v15 =	vadd.f32 v18, v15;
	v22 =	vor.u32 v22, v4;
	v30 =	vand.u32 $0x3F, v30;
	v20 =	vld.idx.msk [tilespmem:v20+s25+$0x0], $0xffff  }
0x144: {  	s21 =	sadd.s32 $0xFFFFFFFF, s19;
	s20 =	sadd.s32 $0xFFFFFFFE, s19;
	v18 =	vor.u32 v3, v30;
	v30 =	vor.u32 v30, v4;
	v8 =	vadd.f32 v9, v8  }
0x145: {  	v13 =	vadd.f32 v13, v17;
	v32 =	vadd.s32 s21, v0;
	v9 =	vld.idx.msk [tilespmem:v23+s25+$0x0], $0xffff;
	v23 =	vadd.s32 s20, v0  }
0x146: {  	v11 =	vadd.f32 v11, v8;
	v17 =	vand.u32 $0x3F, v23;
	v23 =	vand.u32 $0x3F, v32  }
0x147: {  	v19 =	vadd.f32 v21, v19;
	v33 =	vor.u32 v3, v10;
	v32 =	vmul.f32 v24, v24;
	v8 =	vld.idx.msk [tilespmem:v27+s25+$0x0], $0xffff  }
0x148: {  	v14 =	vadd.f32 v14, v15;
	v27 =	vor.u32 v23, v4;
	v21 =	vld.idx.msk [tilespmem:v22+s26+$0x0], $0xffff;
	v22 =	vor.u32 v17, v4  }
0x149: {  	v7 =	vadd.f32 v7, v12;
	v12 =	vadd.f32 v26, v13;
	v15 =	vmul.f32 v24, v20;
	v10 =	vld.idx.msk [tilespmem:v18+s25+$0x0], $0xffff  }
0x14a: {  	v14 =	vadd.f32 v16, v14;
	v11 =	vadd.f32 v20, v11;
	v13 =	vmul.f32 v20, v20;
	v18 =	vld.idx.msk [tilespmem:v29+s26+$0x0], $0xffff  }
0x14b: {  	v5 =	vadd.f32 v5, v7;
	v7 =	vadd.f32 v28, v12;
	v16 =	vmul.f32 v9, v9  }
0x14c: {  	v19 =	vadd.f32 v31, v19;
	v12 =	vadd.f32 v13, v14;
	v14 =	vor.u32 v3, v23;
	v13 =	vld.idx.msk [tilespmem:v33+s25+$0x0], $0xffff  }
0x14d: {  	v5 =	vadd.f32 v6, v5;
	v20 =	vadd.f32 v15, v7;
	v7 =	vadd.s32 s19, v0;
	v23 =	vld.idx.msk [tilespmem:v25+s26+$0x0], $0xffff  }
0x14e: {  	v17 =	vor.u32 v3, v17;
	v6 =	vadd.f32 v16, v12;
	v16 =	vmul.f32 v21, v9;
	v12 =	vld.idx.msk [tilespmem:v30+s26+$0x0], $0xffff  }
0x14f: {  	v15 =	vadd.f32 v32, v19;
	v19 =	vmul.f32 v21, v21;
	v25 =	vand.u32 $0x3F, v7  }
0x150: {  	v24 =	vadd.f32 v24, v5;
	v26 =	vmul.f32 v8, v8;
	v7 =	vld.idx.msk [tilespmem:v22+s26+$0x0], $0xffff;
	v22 =	vor.u32 v3, v25  }
0x151: {  	v28 =	vadd.f32 v9, v11;
	v5 =	vmul.f32 v18, v18;
	v25 =	vor.u32 v25, v4  }
0x152: {  	v11 =	vadd.f32 v19, v15;
	v15 =	vmul.f32 v10, v10;
	v19 =	vmul.f32 v13, v13;
	v9 =	vld.idx.msk [tilespmem:v14+s25+$0x0], $0xffff  }
0x153: {  	v14 =	vadd.f32 v16, v20;
	v20 =	vmul.f32 v18, v13;
	v29 =	vmul.f32 v23, v23;
	v16 =	vld.idx.msk [tilespmem:v17+s25+$0x0], $0xffff  }
0x154: {  	v6 =	vadd.f32 v19, v6;
	v17 =	vadd.f32 v5, v11;
	v30 =	vmul.f32 v12, v12;
	v5 =	vld.idx.msk [tilespmem:v27+s26+$0x0], $0xffff  }
.Ltmp4:
0x155: {  	v19 =	vadd.f32 v21, v24;
	v24 =	vmul.f32 v23, v8;
	v14 =	vadd.f32 v20, v14;
	v11 =	vld.idx.msk [tilespmem:v22+s25+$0x0], $0xffff;
	(pc) =	sbr.rel @p0 .LBB2_11-.Ltmp4, $4  }
0x156: {  	v20 =	vadd.f32 v26, v6;
	v26 =	vadd.f32 v29, v17;
	v21 =	vmul.f32 v7, v7;
	v6 =	vld.idx.msk [tilespmem:v25+s26+$0x0], $0xffff  }
0x157: {  	v22 =	vadd.f32 v13, v28;
	v13 =	vadd.f32 v18, v19;
	v17 =	vmul.f32 v12, v10  }
0x158: {  	v19 =	vadd.f32 v24, v14;
	v24 =	vadd.f32 v30, v26;
	v14 =	vmul.f32 v9, v9  }
0x159: {  	v23 =	vadd.f32 v23, v13;
	v18 =	vmul.f32 v16, v16;
	v13 =	vmul.f32 v7, v16  }
0x15a: {  	v3 =	vadd.f32 v8, v22;
	_ =	sdelay $0x1  }
0x15b: {  	v4 =	vadd.f32 v12, v23;
	v3 =	vadd.f32 v10, v3;
	_ =	sdelay $0x1  }
0x15c: {  	v4 =	vadd.f32 v7, v4;
	v3 =	vadd.f32 v16, v3  }
0x15d: {  	v44 =	vadd.f32 v15, v20  }
0x15e: {  	v4 =	vadd.f32 v5, v4;
	v3 =	vadd.f32 v9, v3  }
0x15f: {  	v45 =	vadd.f32 v21, v24;
	v46 =	vmul.f32 v5, v5;
	v7 =	vadd.f32 v18, v44  }
0x160: {  	v4 =	vadd.f32 v6, v4;
	v3 =	vadd.f32 v11, v3  }
0x161: {  	v47 =	vmul.f32 v11, v11;
	v48 =	vmul.f32 v6, v6;
	v8 =	vadd.f32 v46, v45  }
0x162: {  	v7 =	vadd.f32 v14, v7;
	v50 =	vmul.f32 v4, v4;
	v49 =	vmul.f32 v3, v3  }
0x163: {  	v8 =	vadd.f32 v48, v8  }
0x164: {  	v7 =	vadd.f32 v47, v7;
	v51 =	vmul.f32 $1.562500000e-02, v50;
	v10 =	vmul.f32 $1.562500000e-02, v49;
	_ =	sdelay $0x1  }
0x165: {  	v8 =	vsub.f32 v8, v51;
	v7 =	vsub.f32 v7, v10;
	_ =	sdelay $0x1  }
0x166: {  	v8 =	vmax.f32 v8, $1.000000020e-24;
	v7 =	vmax.f32 v7, $1.000000020e-24  }
0x167: {  	v7 =	vmul.f32 v8, v7;
	_ =	sdelay $0x1  }
0x168: {  	v7 =	vmax.f32 v7, $1.000000000e-30  }
0x169: {  	v52 =	vshra.s32 v7, $0x1;
	v7 =	vmul.f32 $5.000000000e-01, v7  }
0x16a: {  	v8 =	vsub.s32 $0x5F3759DF, v52  }
0x16b: {  	v53 =	vmul.f32 v8, v7;
	_ =	sdelay $0x1  }
0x16c: {  	v10 =	vmul.f32 v8, v53;
	_ =	sdelay $0x1  }
0x16d: {  	v10 =	vsub.f32 $1.500000000e+00, v10;
	_ =	sdelay $0x1  }
0x16e: {  	v8 =	vmul.f32 v8, v10;
	_ =	sdelay $0x1  }
0x16f: {  	v10 =	vmul.f32 v8, v7;
	_ =	sdelay $0x1  }
0x170: {  	v10 =	vmul.f32 v10, v8;
	_ =	sdelay $0x1  }
0x171: {  	v10 =	vsub.f32 $1.500000000e+00, v10;
	_ =	sdelay $0x1  }
0x172: {  	v54 =	vadd.f32 v17, v19;
	v8 =	vmul.f32 v10, v8;
	_ =	sdelay $0x1  }
0x173: {  	v55 =	vmul.f32 v5, v9;
	v56 =	vadd.f32 v13, v54;
	v7 =	vmul.f32 v8, v7  }
0x174: {  	v58 =	vld [tilespmem:s1+$0x10500];
	v57 =	vmul.f32 v6, v11  }
0x175: {  	v5 =	vadd.f32 v55, v56;
	v3 =	vmul.f32 v4, v3;
	v59 =	vmul.f32 v7, v8;
	_ =	sdelay $0x1  }
0x176: {  	v5 =	vadd.f32 v57, v5;
	v3 =	vmul.f32 $1.562500000e-02, v3;
	v4 =	vsub.f32 $1.500000000e+00, v59;
	_ =	sdelay $0x1  }
0x177: {  	v60 =	vadd.f32 $-1.000000000e+00, v58;
	v3 =	vsub.f32 v5, v3;
	v4 =	vmul.f32 v4, v8;
	_ =	sdelay $0x1  }
0x178: {  	s0 =	sadd.s32 $0x1, s0;
	v61 =	vmul.f32 $-2.500000000e-01, v60;
	v3 =	vmul.f32 v4, v3  }
0x179: {  	p0 =	sne.s32 s0, $0x8  }
.Ltmp5:
0x17a: {  	v62 =	vmul.f32 $4.000000000e+00, v3;
	v3 =	vadd.f32 v61, v3;
	(pc) =	sbr.rel @p0 .LBB2_10-.Ltmp5, $3  }
0x17b: {  	_ = 	snop  }
0x17c: {  	v63 =	vadd.f32 $1.000000000e+00, v62;
	v3 =	vmul.f32 v3, v3;
	_ =	sdelay $0x1  }
0x17d: {  	[tilespmem:s1+$0x10700] =	vst v63;
	v2 =	vadd.f32 v3, v2  }
0x17e: {  	_ =	swait.ge [sflag:s31], $0x4000  }
0x17f: {  	[sflag:s31] =	ssyncset.done $0x0  }
0x180: {  	[sflag:s31] =	ssyncadd.s32 $0xFFFFC000  }
0x181: {  	_ =	swait.ge [sflag:s31], $0x4000  }
0x182: {  	[sflag:s31] =	ssyncset.done $0x0  }
0x183: {  	s0 =	simm.s32 $0x0;
	[sflag:s31] =	ssyncadd.s32 $0xFFFFC000  }
.LBB2_14:
0x184: {  	s1 =	sshll.u32 s0, $0x4  }
0x185: {  	s17 =	sor.u32 $0x80, s1  }
0x186: {  	s21 =	simm.s32 $0x0;
	v3 =	vmov s17  }
0x187: {  	s19 =	simm.s32 $0x1;
	v5 =	vadd.s32 s21, v0;
	v3 =	vshll.u32 v3, $0x7  }
0x188: {  	v7 =	vadd.s32 s19, v0;
	v6 =	vand.u32 $0x3F, v5;
	v3 =	vor.u32 v1, v3  }
0x189: {  	v7 =	vand.u32 $0x3F, v7;
	v6 =	vor.u32 v3, v6  }
0x18a: {  	s20 =	simm.s32 $0x3;
	v4 =	vor.u32 $0x40, v3;
	v8 =	vor.u32 v3, v7  }
0x18b: {  	v9 =	vadd.s32 s20, v0;
	s21 =	simm.s32 $0x4;
	v5 =	vor.u32 v5, v4  }
0x18c: {  	s19 =	simm.s32 $0x2;
	v9 =	vand.u32 $0x3F, v9;
	v10 =	vadd.s32 s21, v0;
	v7 =	vor.u32 v7, v4  }
0x18d: {  	v11 =	vadd.s32 s19, v0;
	v10 =	vand.u32 $0x3F, v10;
	v12 =	vor.u32 v3, v9  }
0x18e: {  	v11 =	vand.u32 $0x3F, v11;
	v13 =	vor.u32 v3, v10;
	v6 =	vld.idx.msk [tilespmem:v6+s25+$0x0], $0xffff  }
0x18f: {  	v15 =	vor.u32 v11, v4;
	v16 =	vld.idx.msk [tilespmem:v8+s25+$0x0], $0xffff  }
0x190: {  	s19 =	simm.s32 $0x5;
	v11 =	vor.u32 v3, v11;
	v5 =	vld.idx.msk [tilespmem:v5+s26+$0x0], $0xffff  }
0x191: {  	v14 =	vimm.f32 $0.0e+00;
	s20 =	simm.s32 $0x6;
	v9 =	vor.u32 v9, v4;
	v8 =	vadd.s32 s19, v0;
	v19 =	vld.idx.msk [tilespmem:v7+s26+$0x0], $0xffff  }
0x192: {  	v17 =	vor.u32 v10, v4;
	v10 =	vadd.s32 s20, v0;
	v18 =	vand.u32 $0x3F, v8;
	v8 =	vld.idx.msk [tilespmem:v12+s25+$0x0], $0xffff  }
0x193: {  	v7 =	vand.u32 $0x3F, v10;
	v10 =	vld.idx.msk [tilespmem:v13+s25+$0x0], $0xffff;
	v21 =	vor.u32 v18, v4;
	v18 =	vor.u32 v3, v18  }
0x194: {  	s21 =	simm.s32 $0x7;
	v13 =	vld.idx.msk [tilespmem:v15+s26+$0x0], $0xffff;
	v22 =	vor.u32 v7, v4;
	v24 =	vor.u32 v3, v7;
	v12 =	vmul.f32 v6, v6  }
0x195: {  	v11 =	vld.idx.msk [tilespmem:v11+s25+$0x0], $0xffff;
	v7 =	vadd.s32 s21, v0;
	v15 =	vmul.f32 v16, v16;
	v23 =	vmul.f32 v5, v6  }
0x196: {  	v20 =	vmul.f32 v5, v5;
	v6 =	vadd.f32 v6, v14;
	v5 =	vadd.f32 v5, v14  }
0x197: {  	v25 =	vld.idx.msk [tilespmem:v9+s26+$0x0], $0xffff;
	v27 =	vmul.f32 v19, v16;
	v12 =	vadd.f32 v12, v14;
	v23 =	vadd.f32 v23, v14  }
0x198: {  	v9 =	vadd.f32 v20, v14;
	v14 =	vmul.f32 v8, v8;
	v6 =	vadd.f32 v16, v6;
	v16 =	vld.idx.msk [tilespmem:v18+s25+$0x0], $0xffff  }
0x199: {  	v20 =	vmul.f32 v13, v13;
	v26 =	vadd.f32 v15, v12;
	v12 =	vld.idx.msk [tilespmem:v17+s26+$0x0], $0xffff;
	v15 =	vmul.f32 v19, v19  }
0x19a: {  	v17 =	vand.u32 $0x3F, v7;
	v7 =	vld.idx.msk [tilespmem:v21+s26+$0x0], $0xffff;
	v21 =	vmul.f32 v11, v11;
	v19 =	vadd.f32 v19, v5  }
0x19b: {  	v5 =	vld.idx.msk [tilespmem:v22+s26+$0x0], $0xffff;
	v28 =	vor.u32 v3, v17;
	v29 =	vor.u32 v17, v4;
	v17 =	vadd.f32 v15, v9  }
0x19c: {  	v23 =	vadd.f32 v27, v23;
	v22 =	vadd.f32 v11, v6;
	v9 =	vld.idx.msk [tilespmem:v24+s25+$0x0], $0xffff;
	v24 =	vmul.f32 v13, v11  }
0x19d: {  	v27 =	vmul.f32 v25, v25;
	v18 =	vadd.f32 v21, v26;
	v17 =	vadd.f32 v20, v17  }
0x19e: {  	v15 =	vmul.f32 v10, v10;
	v23 =	vadd.f32 v24, v23;
	v24 =	vmul.f32 v25, v8  }
0x19f: {  	v20 =	vadd.f32 v14, v18;
	v26 =	vmul.f32 v12, v12;
	v14 =	vadd.f32 v27, v17  }
0x1a0: {  	v13 =	vadd.f32 v13, v19;
	v18 =	vmul.f32 v16, v16;
	v21 =	vmul.f32 v7, v7  }
0x1a1: {  	v17 =	vmul.f32 v12, v10;
	v11 =	vld.idx.msk [tilespmem:v28+s25+$0x0], $0xffff;
	v19 =	vadd.f32 v24, v23;
	v24 =	vadd.f32 v26, v14  }
0x1a2: {  	s17 =	simm.s32 $0xF;
	v6 =	vld.idx.msk [tilespmem:v29+s26+$0x0], $0xffff;
	v23 =	vadd.f32 v25, v13;
	v13 =	vmul.f32 v7, v16;
	v14 =	vmul.f32 v9, v9  }
.LBB2_15:
0x1a3: {  	s19 =	sadd.s32 $0xFFFFFFF9, s17;
	s20 =	sadd.s32 $0xFFFFFFFA, s17;
	s21 =	sadd.s32 $0xFFFFFFFB, s17;
	v17 =	vadd.f32 v17, v19;
	v19 =	vadd.f32 v21, v24;
	v21 =	vmul.f32 v5, v5  }
0x1a4: {  	p0 =	sne.s32 s17, $0x3F;
	v8 =	vadd.f32 v8, v22;
	v24 =	vadd.s32 s19, v0;
	v25 =	vadd.s32 s20, v0;
	s19 =	smov.u32 s17;
	s17 =	sadd.s32 $0x8, s17  }
0x1a5: {  	v15 =	vadd.f32 v15, v20;
	v22 =	vand.u32 $0x3F, v24;
	v24 =	vor.u32 v24, v4  }
0x1a6: {  	s20 =	sadd.s32 $0xFFFFFFFC, s19;
	v8 =	vadd.f32 v10, v8;
	v20 =	vor.u32 v3, v22;
	v22 =	vand.u32 $0x3F, v25  }
0x1a7: {  	v12 =	vadd.f32 v12, v23;
	v10 =	vadd.s32 s21, v0;
	v25 =	vadd.s32 s20, v0  }
0x1a8: {  	v10 =	vand.u32 $0x3F, v10;
	v8 =	vadd.f32 v16, v8;
	v16 =	vmul.f32 v11, v11  }
0x1a9: {  	v26 =	vmul.f32 v5, v9;
	v23 =	vor.u32 v3, v22;
	v25 =	vand.u32 $0x3F, v25  }
0x1aa: {  	v28 =	vmul.f32 v6, v11;
	s20 =	sadd.s32 $0xFFFFFFFD, s19;
	v27 =	vor.u32 v3, v25;
	v25 =	vor.u32 v25, v4;
	v24 =	vld.idx.msk [tilespmem:v24+s26+$0x0], $0xffff  }
0x1ab: {  	v31 =	vmul.f32 v6, v6;
	v29 =	vor.u32 v10, v4;
	v30 =	vadd.s32 s20, v0  }
0x1ac: {  	v15 =	vadd.f32 v18, v15;
	v22 =	vor.u32 v22, v4;
	v30 =	vand.u32 $0x3F, v30;
	v20 =	vld.idx.msk [tilespmem:v20+s25+$0x0], $0xffff  }
0x1ad: {  	s21 =	sadd.s32 $0xFFFFFFFF, s19;
	s20 =	sadd.s32 $0xFFFFFFFE, s19;
	v18 =	vor.u32 v3, v30;
	v30 =	vor.u32 v30, v4;
	v8 =	vadd.f32 v9, v8  }
0x1ae: {  	v13 =	vadd.f32 v13, v17;
	v32 =	vadd.s32 s21, v0;
	v9 =	vld.idx.msk [tilespmem:v23+s25+$0x0], $0xffff;
	v23 =	vadd.s32 s20, v0  }
0x1af: {  	v11 =	vadd.f32 v11, v8;
	v17 =	vand.u32 $0x3F, v23;
	v23 =	vand.u32 $0x3F, v32  }
0x1b0: {  	v19 =	vadd.f32 v21, v19;
	v33 =	vor.u32 v3, v10;
	v32 =	vmul.f32 v24, v24;
	v8 =	vld.idx.msk [tilespmem:v27+s25+$0x0], $0xffff  }
0x1b1: {  	v14 =	vadd.f32 v14, v15;
	v27 =	vor.u32 v23, v4;
	v21 =	vld.idx.msk [tilespmem:v22+s26+$0x0], $0xffff;
	v22 =	vor.u32 v17, v4  }
0x1b2: {  	v7 =	vadd.f32 v7, v12;
	v12 =	vadd.f32 v26, v13;
	v15 =	vmul.f32 v24, v20;
	v10 =	vld.idx.msk [tilespmem:v18+s25+$0x0], $0xffff  }
0x1b3: {  	v14 =	vadd.f32 v16, v14;
	v11 =	vadd.f32 v20, v11;
	v13 =	vmul.f32 v20, v20;
	v18 =	vld.idx.msk [tilespmem:v29+s26+$0x0], $0xffff  }
0x1b4: {  	v5 =	vadd.f32 v5, v7;
	v7 =	vadd.f32 v28, v12;
	v16 =	vmul.f32 v9, v9  }
0x1b5: {  	v19 =	vadd.f32 v31, v19;
	v12 =	vadd.f32 v13, v14;
	v14 =	vor.u32 v3, v23;
	v13 =	vld.idx.msk [tilespmem:v33+s25+$0x0], $0xffff  }
0x1b6: {  	v5 =	vadd.f32 v6, v5;
	v20 =	vadd.f32 v15, v7;
	v7 =	vadd.s32 s19, v0;
	v23 =	vld.idx.msk [tilespmem:v25+s26+$0x0], $0xffff  }
0x1b7: {  	v17 =	vor.u32 v3, v17;
	v6 =	vadd.f32 v16, v12;
	v16 =	vmul.f32 v21, v9;
	v12 =	vld.idx.msk [tilespmem:v30+s26+$0x0], $0xffff  }
0x1b8: {  	v15 =	vadd.f32 v32, v19;
	v19 =	vmul.f32 v21, v21;
	v25 =	vand.u32 $0x3F, v7  }
0x1b9: {  	v24 =	vadd.f32 v24, v5;
	v26 =	vmul.f32 v8, v8;
	v7 =	vld.idx.msk [tilespmem:v22+s26+$0x0], $0xffff;
	v22 =	vor.u32 v3, v25  }
0x1ba: {  	v28 =	vadd.f32 v9, v11;
	v5 =	vmul.f32 v18, v18;
	v25 =	vor.u32 v25, v4  }
0x1bb: {  	v11 =	vadd.f32 v19, v15;
	v15 =	vmul.f32 v10, v10;
	v19 =	vmul.f32 v13, v13;
	v9 =	vld.idx.msk [tilespmem:v14+s25+$0x0], $0xffff  }
0x1bc: {  	v14 =	vadd.f32 v16, v20;
	v20 =	vmul.f32 v18, v13;
	v29 =	vmul.f32 v23, v23;
	v16 =	vld.idx.msk [tilespmem:v17+s25+$0x0], $0xffff  }
0x1bd: {  	v6 =	vadd.f32 v19, v6;
	v17 =	vadd.f32 v5, v11;
	v30 =	vmul.f32 v12, v12;
	v5 =	vld.idx.msk [tilespmem:v27+s26+$0x0], $0xffff  }
.Ltmp6:
0x1be: {  	v19 =	vadd.f32 v21, v24;
	v24 =	vmul.f32 v23, v8;
	v14 =	vadd.f32 v20, v14;
	v11 =	vld.idx.msk [tilespmem:v22+s25+$0x0], $0xffff;
	(pc) =	sbr.rel @p0 .LBB2_15-.Ltmp6, $4  }
0x1bf: {  	v20 =	vadd.f32 v26, v6;
	v26 =	vadd.f32 v29, v17;
	v21 =	vmul.f32 v7, v7;
	v6 =	vld.idx.msk [tilespmem:v25+s26+$0x0], $0xffff  }
0x1c0: {  	v22 =	vadd.f32 v13, v28;
	v13 =	vadd.f32 v18, v19;
	v17 =	vmul.f32 v12, v10  }
0x1c1: {  	v19 =	vadd.f32 v24, v14;
	v24 =	vadd.f32 v30, v26;
	v14 =	vmul.f32 v9, v9  }
0x1c2: {  	v23 =	vadd.f32 v23, v13;
	v18 =	vmul.f32 v16, v16;
	v13 =	vmul.f32 v7, v16  }
0x1c3: {  	v3 =	vadd.f32 v8, v22;
	_ =	sdelay $0x1  }
0x1c4: {  	v4 =	vadd.f32 v12, v23;
	v3 =	vadd.f32 v10, v3;
	_ =	sdelay $0x1  }
0x1c5: {  	v4 =	vadd.f32 v7, v4;
	v3 =	vadd.f32 v16, v3  }
0x1c6: {  	v44 =	vadd.f32 v15, v20  }
0x1c7: {  	v4 =	vadd.f32 v5, v4;
	v3 =	vadd.f32 v9, v3  }
0x1c8: {  	v45 =	vadd.f32 v21, v24;
	v46 =	vmul.f32 v5, v5;
	v7 =	vadd.f32 v18, v44  }
0x1c9: {  	v4 =	vadd.f32 v6, v4;
	v3 =	vadd.f32 v11, v3  }
0x1ca: {  	v47 =	vmul.f32 v11, v11;
	v48 =	vmul.f32 v6, v6;
	v8 =	vadd.f32 v46, v45  }
0x1cb: {  	v7 =	vadd.f32 v14, v7;
	v50 =	vmul.f32 v4, v4;
	v49 =	vmul.f32 v3, v3  }
0x1cc: {  	v8 =	vadd.f32 v48, v8  }
0x1cd: {  	v7 =	vadd.f32 v47, v7;
	v51 =	vmul.f32 $1.562500000e-02, v50;
	v10 =	vmul.f32 $1.562500000e-02, v49;
	_ =	sdelay $0x1  }
0x1ce: {  	v8 =	vsub.f32 v8, v51;
	v7 =	vsub.f32 v7, v10;
	_ =	sdelay $0x1  }
0x1cf: {  	v8 =	vmax.f32 v8, $1.000000020e-24;
	v7 =	vmax.f32 v7, $1.000000020e-24  }
0x1d0: {  	v7 =	vmul.f32 v8, v7;
	_ =	sdelay $0x1  }
0x1d1: {  	v7 =	vmax.f32 v7, $1.000000000e-30  }
0x1d2: {  	v52 =	vshra.s32 v7, $0x1;
	v7 =	vmul.f32 $5.000000000e-01, v7  }
0x1d3: {  	v8 =	vsub.s32 $0x5F3759DF, v52  }
0x1d4: {  	v53 =	vmul.f32 v8, v7;
	_ =	sdelay $0x1  }
0x1d5: {  	v10 =	vmul.f32 v8, v53;
	_ =	sdelay $0x1  }
0x1d6: {  	v10 =	vsub.f32 $1.500000000e+00, v10;
	_ =	sdelay $0x1  }
0x1d7: {  	v8 =	vmul.f32 v8, v10;
	_ =	sdelay $0x1  }
0x1d8: {  	v10 =	vmul.f32 v8, v7;
	_ =	sdelay $0x1  }
0x1d9: {  	v10 =	vmul.f32 v10, v8;
	_ =	sdelay $0x1  }
0x1da: {  	v10 =	vsub.f32 $1.500000000e+00, v10;
	_ =	sdelay $0x1  }
0x1db: {  	v54 =	vadd.f32 v17, v19;
	v8 =	vmul.f32 v10, v8;
	_ =	sdelay $0x1  }
0x1dc: {  	v55 =	vmul.f32 v5, v9;
	v56 =	vadd.f32 v13, v54;
	v7 =	vmul.f32 v8, v7  }
0x1dd: {  	v58 =	vld [tilespmem:s1+$0x10580];
	v57 =	vmul.f32 v6, v11  }
0x1de: {  	v5 =	vadd.f32 v55, v56;
	v3 =	vmul.f32 v4, v3;
	v59 =	vmul.f32 v7, v8;
	_ =	sdelay $0x1  }
0x1df: {  	v5 =	vadd.f32 v57, v5;
	v3 =	vmul.f32 $1.562500000e-02, v3;
	v4 =	vsub.f32 $1.500000000e+00, v59;
	_ =	sdelay $0x1  }
0x1e0: {  	v60 =	vadd.f32 $-1.000000000e+00, v58;
	v3 =	vsub.f32 v5, v3;
	v4 =	vmul.f32 v4, v8;
	_ =	sdelay $0x1  }
0x1e1: {  	s0 =	sadd.s32 $0x1, s0;
	v61 =	vmul.f32 $-2.500000000e-01, v60;
	v3 =	vmul.f32 v4, v3  }
0x1e2: {  	p0 =	sne.s32 s0, $0x8  }
.Ltmp7:
0x1e3: {  	v62 =	vmul.f32 $4.000000000e+00, v3;
	v3 =	vadd.f32 v61, v3;
	(pc) =	sbr.rel @p0 .LBB2_14-.Ltmp7, $3  }
0x1e4: {  	_ = 	snop  }
0x1e5: {  	v63 =	vadd.f32 $1.000000000e+00, v62;
	v3 =	vmul.f32 v3, v3;
	_ =	sdelay $0x1  }
0x1e6: {  	[tilespmem:s1+$0x10780] =	vst v63;
	v2 =	vadd.f32 v3, v2  }
0x1e7: {  	_ = 	snop  }
0x1e8: {  	s0 =	simm.s32 $0x10600;
	[tilespmem:$0x10800] =	vst v2  }
0x1e9: {  	[hbm4b:s13+s2] =	stream.linear.scatter [tilespmem:s0], [sflag:$0x3], $0x200, $0x38;
	[tilespmem:$0x10880] =	vst v63  }
0x1ea: {  	s24 =	sadd.s32 $0x1, s24;
	_ =	swait.ge [sflag:s16], $0x200  }
0x1eb: {  	p0 =	sne.s32 s24, s15;
	[sflag:s16] =	ssyncset.done $0x0  }
.Ltmp8:
0x1ec: {  	s21 =	simm.s32 $0x10800;
	[sflag:s16] =	ssyncadd.s32 $0xFFFFFE00;
	(pc) =	sbr.rel @p0 .LBB2_1-.Ltmp8, $4  }
0x1ed: {  	[hbm4b:s14+s2] =	stream.linear.scatter [tilespmem:s21], [sflag:$0x3], $0x10, $0x38;
	[tilespmem:$0x10880] =	vst v63  }
0x1ee: {  	_ =	swait.ge [sflag:s16], $0x10  }
0x1ef: {  	[sflag:s16] =	ssyncset.done $0x0  }
0x1f0: {  	[sflag:s16] =	ssyncadd.s32 $0xFFFFFFF0  }
0x1f1: {  	_ =	sfence.sel $0x180000  }
0x1f2: {  	[bflag:$0x0] =	sbarrier.arrive $0xFFFF  }
0x1f3: {  	_ =	strace $0x90000047  }
0x1f4: {  	s0 =	stileid.u32;
	[bflag:$0x2] =	sbarrier.arrive $0xFFFF  }
0x1f5: {  	p0 =	sne.s32 s0, $0x0;
	s0 =	rddreg [dreg:$0x5]  }
0x1f6: {  	s0 =	sadd.s32 @!p0 $0x100000, s0  }
0x1f7: {  	[sflag:s0] =	ssyncadd.tile.s32 @!p0 $0x1;
	_ =	shalt  }
.Lfunc_end2:
_tile_overlayer_lowered:
.L_overlay_start_2:
0x1f8: {  	(tag) =	ssettag $0x2  }
0x1f9: {  	s0 =	rddreg [dreg:$0x0];
	s2 =	stileid.u32  }
0x1fa: {  	s1 =	rddreg [dreg:$0x1];
	p0 =	sne.s32 s2, $0x0  }
0x1fb: {  	s3 =	rddreg [dreg:$0x2];
	[bflag:$0x3] =	sbarrier.arrive $0xFFFF;
	s2 =	simm.s32 @!p0 $0x1C03  }
0x1fc: {  	[timem:s3], [sflag:s2] =	dma.local @!p0 [hbm:s0], s1  }
0x1fd: {  	s0 =	simm.s32 @!p0 $0x3  }
0x1fe: {  	_ =	swait.ge @!p0 [sflag:s0], s1  }
0x1ff: {  	s1 =	ssub.s32 @!p0 $0x0, s1;
	[sflag:s0] =	ssyncset.done @!p0 $0x0  }
0x200: {  	[sflag:s0] =	ssyncadd.s32 @!p0 s1  }
0x201: {  	[bflag:$0x3] =	sbarrier.arrive $0xFFFF  }
0x202: {  	_ =	shalt  }

</sc_bundles>
